<compile_context>
chip_gen: v7x
topology: tpu7x:2x2x1
jax: 0.10.2.dev20260603
libtpu: 0.0.44.dev20260713+nightly
codegen_flags: <defaults>
</compile_context>

<pallas_src>
import functools

import jax
import jax.numpy as jnp
from jax import lax
from jax.experimental import pallas as pl
from jax.experimental.pallas import tpu as pltpu
from jax.experimental.pallas import tpu_sc as plsc

NC, NS = 2, 16
NW = NC * NS
D = 64
V = 200
CH = 512
SB = 12800
NSLOT = 3
U = 16


@functools.partial(jax.jit, static_argnums=(2,))
def _lookup(pos_flat, tab_flat, B):
    per_w = B // NW
    n_sb = per_w // SB
    n_ch = SB // CH

    mesh = plsc.VectorSubcoreMesh(
        core_axis_name="c", subcore_axis_name="s",
        num_cores=NC, num_subcores=NS)

    @functools.partial(
        pl.kernel,
        out_type=jax.ShapeDtypeStruct((B * D,), jnp.float32),
        mesh=mesh,
        scratch_types=[
            pltpu.VMEM((V * D,), jnp.float32),
            pltpu.VMEM((SB,), jnp.int32),
            pltpu.VMEM((NSLOT, CH * D), jnp.float32),
            pltpu.SemaphoreType.DMA((NSLOT,)),
        ],
        compiler_params=pltpu.CompilerParams(
            use_tc_tiling_on_sc=False, needs_layout_passes=False),
    )
    def k(pos_hbm, tab_hbm, out_hbm, tab_v, idx_v, rows_v, osem):
        wid = lax.axis_index("s") * NC + lax.axis_index("c")
        base = wid * per_w

        pltpu.sync_copy(tab_hbm, tab_v)

        def wait_write(sb_base, g, s):
            pltpu.make_async_copy(
                rows_v.at[s],
                out_hbm.at[pl.ds((sb_base + g * CH) * D, CH * D)],
                osem.at[s]).wait()

        def sb_body(sbi, carry):
            sb_base = base + sbi * SB
            pltpu.sync_copy(pos_hbm.at[pl.ds(sb_base, SB)], idx_v)

            def g_body(g, carry):
                s = lax.rem(g, NSLOT)

                @pl.when(g >= NSLOT)
                def _():
                    wait_write(sb_base, g - NSLOT, s)

                slot = rows_v.at[s]
                goff = g * CH

                def row_body(r, carry):
                    rbase = r * U
                    iv = idx_v[pl.ds(goff + rbase, U)] * D
                    for u in range(U):
                        tb = iv[u]
                        ob = (rbase + u) * D
                        for kk in range(D // 16):
                            slot[pl.ds(ob + kk * 16, 16)] = (
                                tab_v[pl.ds(tb + kk * 16, 16)])
                    return carry

                lax.fori_loop(0, CH // U, row_body, carry)

                pltpu.async_copy(
                    slot,
                    out_hbm.at[pl.ds((sb_base + goff) * D, CH * D)],
                    osem.at[s])
                return carry

            lax.fori_loop(0, n_ch, g_body, carry)

            for g in range(n_ch - NSLOT, n_ch):
                wait_write(sb_base, g, lax.rem(g, NSLOT))
            return carry

        lax.fori_loop(0, n_sb, sb_body, 0)

    return k(pos_flat, tab_flat)


def kernel(positions, table):
    batch, seq = positions.shape
    b = batch * seq
    pos_flat = positions.reshape(b).astype(jnp.int32)
    out = _lookup(pos_flat, table.reshape(V * D), b)
    return out.reshape(batch, seq, D)

# --- scband reference (transcript-rebuilt; emitter-appended) ---
"""Pipeline reference for scband-position-embedding-16492674417196 (READ-ONLY COPY).

The authoritative reference and input builder live on the scoring server;
editing this copy changes nothing except your own understanding.
"""

import jax, jax.numpy as jnp
import numpy as np

EMBEDDING_DIM = 64
MAX_LEN = 200
BATCH = 16384
SEQ = 200

def setup_inputs(seed: int = 0) -> dict:
    key = jax.random.key(seed)
    k_idx, k_tab = jax.random.split(key)
    positions = jax.random.randint(k_idx, (BATCH, SEQ), 0, MAX_LEN, dtype=jnp.int64 if jax.config.jax_enable_x64 else jnp.int32)
    # nn.Embedding default init: N(0, 1)
    table = jax.random.normal(k_tab, (MAX_LEN, EMBEDDING_DIM), dtype=jnp.float32)
    return {"positions": positions, "table": table}

def reference(positions, table):
    # PositionEmbedding.forward: embedding lookup on timestep/position indices
    return jnp.take(table, positions, axis=0)

if __name__ == "__main__":
    import jax
    _d = setup_inputs()
    print(jax.jit(kernel)(*tuple(_d.values())))

</pallas_src>

<mosaic_0001>
#map = affine_map<(d0, d1) -> (0)>
module attributes {stable_mosaic.version = 14 : i64} {
  func.func @k(%arg0: i32, %arg1: i32, %arg2: memref<3276800xi32, #tpu.memory_space<hbm>>, %arg3: memref<12800xf32, #tpu.memory_space<hbm>>, %arg4: memref<209715200xf32, #tpu.memory_space<hbm>>, %arg5: memref<12800xf32, #tpu.memory_space<vmem>>, %arg6: memref<12800xi32, #tpu.memory_space<vmem>>, %arg7: memref<3x32768xf32, #tpu.memory_space<vmem>>, %arg8: memref<3x!tpu.dma_semaphore, #tpu.memory_space<semaphore_mem>>) attributes {dimension_semantics = [#tpu.dimension_semantics<core_parallel>, #tpu.dimension_semantics<subcore_parallel>], iteration_bounds = array<i64: 2, 16>, scalar_prefetch = 0 : i64, scratch_operands = 4 : i64, tpu.core_type = #tpu.core_type<sc_vector_subcore>, window_params = [{transform_indices = #map}, {transform_indices = #map}, {transform_indices = #map}]} {
    %mul3A = arith.constant 2 : i32
    %mul3A_0 = arith.muli %arg1, %mul3A : i32
    %add3A = arith.addi %mul3A_0, %arg0 : i32
    %mul3A_1 = arith.constant 102400 : i32
    %mul3A_2 = arith.muli %add3A, %mul3A_1 : i32
    "tpu.region"() ({
      %run_scoped3A = tpu.sem_alloc : memref<!tpu.dma_semaphore, #tpu.memory_space<semaphore_mem>>
      tpu.enqueue_dma source(%arg3 : memref<12800xf32, #tpu.memory_space<hbm>>) target(%arg5 : memref<12800xf32, #tpu.memory_space<vmem>>) target_semaphore(%run_scoped3A : memref<!tpu.dma_semaphore, #tpu.memory_space<semaphore_mem>>)
      tpu.wait_dma2 semaphore(%run_scoped3A : memref<!tpu.dma_semaphore, #tpu.memory_space<semaphore_mem>>) src(%arg3 : memref<12800xf32, #tpu.memory_space<hbm>>) dst(%arg5 : memref<12800xf32, #tpu.memory_space<vmem>>)
      tpu.yield
    }) : () -> ()
    %scan3A = arith.constant 0 : i32
    %scan3A_3 = arith.constant 0 : i32
    %scan3A_4 = arith.constant 8 : i32
    %scan3A_5 = arith.addi %scan3A_3, %scan3A_4 : i32
    %scan3A_6 = arith.constant 1 : i32
    scf.for %scan3A_8 = %scan3A_3 to %scan3A_5 step %scan3A_6  : i32 {
      %mul3A_9 = arith.constant 12800 : i32
      %mul3A_10 = arith.muli %scan3A_8, %mul3A_9 : i32
      %add3A_11 = arith.addi %mul3A_2, %mul3A_10 : i32
      "tpu.region"() ({
        %run_scoped3A = tpu.sem_alloc : memref<!tpu.dma_semaphore, #tpu.memory_space<semaphore_mem>>
        %dma_start3A = tpu.memref_slice %arg2[%add3A_11] : memref<3276800xi32, #tpu.memory_space<hbm>> -> memref<12800xi32, #tpu.memory_space<hbm>>
        %dma_start3A_66 = tpu.memref_slice %arg2[%add3A_11] : memref<3276800xi32, #tpu.memory_space<hbm>> -> memref<12800xi32, #tpu.memory_space<hbm>>
        tpu.enqueue_dma source(%dma_start3A_66 : memref<12800xi32, #tpu.memory_space<hbm>>) target(%arg6 : memref<12800xi32, #tpu.memory_space<vmem>>) target_semaphore(%run_scoped3A : memref<!tpu.dma_semaphore, #tpu.memory_space<semaphore_mem>>)
        %dma_wait3A_67 = tpu.memref_slice %arg2[%add3A_11] : memref<3276800xi32, #tpu.memory_space<hbm>> -> memref<12800xi32, #tpu.memory_space<hbm>>
        %dma_wait3A_68 = tpu.memref_slice %arg2[%add3A_11] : memref<3276800xi32, #tpu.memory_space<hbm>> -> memref<12800xi32, #tpu.memory_space<hbm>>
        tpu.wait_dma2 semaphore(%run_scoped3A : memref<!tpu.dma_semaphore, #tpu.memory_space<semaphore_mem>>) src(%dma_wait3A_68 : memref<12800xi32, #tpu.memory_space<hbm>>) dst(%arg6 : memref<12800xi32, #tpu.memory_space<vmem>>)
        tpu.yield
      }) : () -> ()
      %scan3A_12 = arith.constant 0 : i32
      %scan3A_13 = arith.constant 25 : i32
      %scan3A_14 = arith.addi %scan3A_12, %scan3A_13 : i32
      %scan3A_15 = arith.constant 1 : i32
      scf.for %scan3A_66 = %scan3A_12 to %scan3A_14 step %scan3A_15  : i32 {
        %rem3A_67 = arith.constant 3 : i32
        %rem3A_68 = arith.remsi %scan3A_66, %rem3A_67 : i32
        %ge3A = arith.constant 3 : i32
        %ge3A_69 = arith.cmpi sge, %scan3A_66, %ge3A : i32
        %convert_element_type3A = arith.extui %ge3A_69 : i1 to i32
        %cond3A = arith.constant 0 : i32
        %cond3A_70 = arith.cmpi ne, %convert_element_type3A, %cond3A : i32
        scf.if %cond3A_70 {
          %sub3A = arith.constant 3 : i32
          %sub3A_90 = arith.subi %scan3A_66, %sub3A : i32
          %mul3A_91 = arith.constant 512 : i32
          %mul3A_92 = arith.muli %sub3A_90, %mul3A_91 : i32
          %add3A_93 = arith.addi %add3A_11, %mul3A_92 : i32
          %mul3A_94 = arith.constant 64 : i32
          %mul3A_95 = arith.muli %add3A_93, %mul3A_94 : i32
          %dma_wait3A_96 = arith.constant 0 : i32
          %dma_wait3A_97 = tpu.memref_slice %arg7[%rem3A_68, %dma_wait3A_96] : memref<3x32768xf32, #tpu.memory_space<vmem>> -> memref<1x32768xf32, #tpu.memory_space<vmem>>
          %dma_wait3A_98 = tpu.memref_squeeze %dma_wait3A_97 : memref<1x32768xf32, #tpu.memory_space<vmem>> -> memref<32768xf32, #tpu.memory_space<vmem>>
          %dma_wait3A_99 = tpu.memref_slice %arg4[%mul3A_95] : memref<209715200xf32, #tpu.memory_space<hbm>> -> memref<32768xf32, #tpu.memory_space<hbm>>
          %dma_wait3A_100 = tpu.memref_slice %arg8[%rem3A_68] : memref<3x!tpu.dma_semaphore, #tpu.memory_space<semaphore_mem>> -> memref<1x!tpu.dma_semaphore, #tpu.memory_space<semaphore_mem>>
          %dma_wait3A_101 = tpu.memref_squeeze %dma_wait3A_100 : memref<1x!tpu.dma_semaphore, #tpu.memory_space<semaphore_mem>> -> memref<!tpu.dma_semaphore, #tpu.memory_space<semaphore_mem>>
          %dma_wait3A_102 = tpu.memref_slice %arg4[%mul3A_95] : memref<209715200xf32, #tpu.memory_space<hbm>> -> memref<32768xf32, #tpu.memory_space<hbm>>
          %dma_wait3A_103 = arith.constant 0 : i32
          %dma_wait3A_104 = tpu.memref_slice %arg7[%rem3A_68, %dma_wait3A_103] : memref<3x32768xf32, #tpu.memory_space<vmem>> -> memref<1x32768xf32, #tpu.memory_space<vmem>>
          %dma_wait3A_105 = tpu.memref_squeeze %dma_wait3A_104 : memref<1x32768xf32, #tpu.memory_space<vmem>> -> memref<32768xf32, #tpu.memory_space<vmem>>
          tpu.wait_dma2 semaphore(%dma_wait3A_101 : memref<!tpu.dma_semaphore, #tpu.memory_space<semaphore_mem>>) src(%dma_wait3A_105 : memref<32768xf32, #tpu.memory_space<vmem>>) dst(%dma_wait3A_102 : memref<32768xf32, #tpu.memory_space<hbm>>)
        } else {
        }
        %mul3A_71 = arith.constant 512 : i32
        %mul3A_72 = arith.muli %scan3A_66, %mul3A_71 : i32
        %scan3A_73 = arith.constant 0 : i32
        %scan3A_74 = arith.constant 32 : i32
        %scan3A_75 = arith.addi %scan3A_73, %scan3A_74 : i32
        %scan3A_76 = arith.constant 1 : i32
        scf.for %scan3A_90 = %scan3A_73 to %scan3A_75 step %scan3A_76  : i32 {
          %mul3A_91 = arith.constant 16 : i32
          %mul3A_92 = arith.muli %scan3A_90, %mul3A_91 : i32
          %add3A_93 = arith.addi %mul3A_72, %mul3A_92 : i32
          %get3A = arith.index_cast %add3A_93 : i32 to index
          %get3A_94 = tpu.vector_load %arg6[%get3A] {strides = array<i32>} : memref<12800xi32, #tpu.memory_space<vmem>>, vector<16xi32>,
          %mul3A_95 = arith.constant 64 : i32
          %mul3A_96 = vector.broadcast %mul3A_95 : i32 to vector<16xi32>
          %mul3A_97 = arith.muli %get3A_94, %mul3A_96 : vector<16xi32>
          %slice3A = vector.extract_strided_slice %mul3A_97 {offsets = [0], sizes = [1], strides = [1]} : vector<16xi32> to vector<1xi32>
          %squeeze3A = vector.extract %slice3A[0] : i32 from vector<1xi32>
          %add3A_98 = arith.constant 0 : i32
          %add3A_99 = arith.addi %mul3A_92, %add3A_98 : i32
          %mul3A_100 = arith.constant 64 : i32
          %mul3A_101 = arith.muli %add3A_99, %mul3A_100 : i32
          %add3A_102 = arith.constant 0 : i32
          %add3A_103 = arith.addi %squeeze3A, %add3A_102 : i32
          %get3A_104 = arith.index_cast %add3A_103 : i32 to index
          %get3A_105 = tpu.vector_load %arg5[%get3A_104] {strides = array<i32>} : memref<12800xf32, #tpu.memory_space<vmem>>, vector<16xf32>,
          %add3A_106 = arith.constant 0 : i32
          %add3A_107 = arith.addi %mul3A_101, %add3A_106 : i32
          %swap3A = arith.constant 0 : i32
          %swap3A_108 = tpu.memref_slice %arg7[%rem3A_68, %swap3A] : memref<3x32768xf32, #tpu.memory_space<vmem>> -> memref<1x32768xf32, #tpu.memory_space<vmem>>
          %swap3A_109 = tpu.memref_squeeze %swap3A_108 : memref<1x32768xf32, #tpu.memory_space<vmem>> -> memref<32768xf32, #tpu.memory_space<vmem>>
          %swap3A_110 = arith.index_cast %add3A_107 : i32 to index
          %swap3A_111 = tpu.vector_load %swap3A_109[%swap3A_110] {strides = array<i32>} : memref<32768xf32, #tpu.memory_space<vmem>>, vector<16xf32>,
          tpu.vector_store %swap3A_109[%swap3A_110], %get3A_105 {strides = array<i32>} : memref<32768xf32, #tpu.memory_space<vmem>>, vector<16xf32>,
          %add3A_112 = arith.constant 16 : i32
          %add3A_113 = arith.addi %squeeze3A, %add3A_112 : i32
          %get3A_114 = arith.index_cast %add3A_113 : i32 to index
          %get3A_115 = tpu.vector_load %arg5[%get3A_114] {strides = array<i32>} : memref<12800xf32, #tpu.memory_space<vmem>>, vector<16xf32>,
          %add3A_116 = arith.constant 16 : i32
          %add3A_117 = arith.addi %mul3A_101, %add3A_116 : i32
          %swap3A_118 = arith.constant 0 : i32
          %swap3A_119 = tpu.memref_slice %arg7[%rem3A_68, %swap3A_118] : memref<3x32768xf32, #tpu.memory_space<vmem>> -> memref<1x32768xf32, #tpu.memory_space<vmem>>
          %swap3A_120 = tpu.memref_squeeze %swap3A_119 : memref<1x32768xf32, #tpu.memory_space<vmem>> -> memref<32768xf32, #tpu.memory_space<vmem>>
          %swap3A_121 = arith.index_cast %add3A_117 : i32 to index
          %swap3A_122 = tpu.vector_load %swap3A_120[%swap3A_121] {strides = array<i32>} : memref<32768xf32, #tpu.memory_space<vmem>>, vector<16xf32>,
          tpu.vector_store %swap3A_120[%swap3A_121], %get3A_115 {strides = array<i32>} : memref<32768xf32, #tpu.memory_space<vmem>>, vector<16xf32>,
          %add3A_123 = arith.constant 32 : i32
          %add3A_124 = arith.addi %squeeze3A, %add3A_123 : i32
          %get3A_125 = arith.index_cast %add3A_124 : i32 to index
          %get3A_126 = tpu.vector_load %arg5[%get3A_125] {strides = array<i32>} : memref<12800xf32, #tpu.memory_space<vmem>>, vector<16xf32>,
          %add3A_127 = arith.constant 32 : i32
          %add3A_128 = arith.addi %mul3A_101, %add3A_127 : i32
          %swap3A_129 = arith.constant 0 : i32
          %swap3A_130 = tpu.memref_slice %arg7[%rem3A_68, %swap3A_129] : memref<3x32768xf32, #tpu.memory_space<vmem>> -> memref<1x32768xf32, #tpu.memory_space<vmem>>
          %swap3A_131 = tpu.memref_squeeze %swap3A_130 : memref<1x32768xf32, #tpu.memory_space<vmem>> -> memref<32768xf32, #tpu.memory_space<vmem>>
          %swap3A_132 = arith.index_cast %add3A_128 : i32 to index
          %swap3A_133 = tpu.vector_load %swap3A_131[%swap3A_132] {strides = array<i32>} : memref<32768xf32, #tpu.memory_space<vmem>>, vector<16xf32>,
          tpu.vector_store %swap3A_131[%swap3A_132], %get3A_126 {strides = array<i32>} : memref<32768xf32, #tpu.memory_space<vmem>>, vector<16xf32>,
          %add3A_134 = arith.constant 48 : i32
          %add3A_135 = arith.addi %squeeze3A, %add3A_134 : i32
          %get3A_136 = arith.index_cast %add3A_135 : i32 to index
          %get3A_137 = tpu.vector_load %arg5[%get3A_136] {strides = array<i32>} : memref<12800xf32, #tpu.memory_space<vmem>>, vector<16xf32>,
          %add3A_138 = arith.constant 48 : i32
          %add3A_139 = arith.addi %mul3A_101, %add3A_138 : i32
          %swap3A_140 = arith.constant 0 : i32
          %swap3A_141 = tpu.memref_slice %arg7[%rem3A_68, %swap3A_140] : memref<3x32768xf32, #tpu.memory_space<vmem>> -> memref<1x32768xf32, #tpu.memory_space<vmem>>
          %swap3A_142 = tpu.memref_squeeze %swap3A_141 : memref<1x32768xf32, #tpu.memory_space<vmem>> -> memref<32768xf32, #tpu.memory_space<vmem>>
          %swap3A_143 = arith.index_cast %add3A_139 : i32 to index
          %swap3A_144 = tpu.vector_load %swap3A_142[%swap3A_143] {strides = array<i32>} : memref<32768xf32, #tpu.memory_space<vmem>>, vector<16xf32>,
          tpu.vector_store %swap3A_142[%swap3A_143], %get3A_137 {strides = array<i32>} : memref<32768xf32, #tpu.memory_space<vmem>>, vector<16xf32>,
          %slice3A_145 = vector.extract_strided_slice %mul3A_97 {offsets = [1], sizes = [1], strides = [1]} : vector<16xi32> to vector<1xi32>
          %squeeze3A_146 = vector.extract %slice3A_145[0] : i32 from vector<1xi32>
          %add3A_147 = arith.constant 1 : i32
          %add3A_148 = arith.addi %mul3A_92, %add3A_147 : i32
          %mul3A_149 = arith.constant 64 : i32
          %mul3A_150 = arith.muli %add3A_148, %mul3A_149 : i32
          %add3A_151 = arith.constant 0 : i32
          %add3A_152 = arith.addi %squeeze3A_146, %add3A_151 : i32
          %get3A_153 = arith.index_cast %add3A_152 : i32 to index
          %get3A_154 = tpu.vector_load %arg5[%get3A_153] {strides = array<i32>} : memref<12800xf32, #tpu.memory_space<vmem>>, vector<16xf32>,
          %add3A_155 = arith.constant 0 : i32
          %add3A_156 = arith.addi %mul3A_150, %add3A_155 : i32
          %swap3A_157 = arith.constant 0 : i32
          %swap3A_158 = tpu.memref_slice %arg7[%rem3A_68, %swap3A_157] : memref<3x32768xf32, #tpu.memory_space<vmem>> -> memref<1x32768xf32, #tpu.memory_space<vmem>>
          %swap3A_159 = tpu.memref_squeeze %swap3A_158 : memref<1x32768xf32, #tpu.memory_space<vmem>> -> memref<32768xf32, #tpu.memory_space<vmem>>
          %swap3A_160 = arith.index_cast %add3A_156 : i32 to index
          %swap3A_161 = tpu.vector_load %swap3A_159[%swap3A_160] {strides = array<i32>} : memref<32768xf32, #tpu.memory_space<vmem>>, vector<16xf32>,
          tpu.vector_store %swap3A_159[%swap3A_160], %get3A_154 {strides = array<i32>} : memref<32768xf32, #tpu.memory_space<vmem>>, vector<16xf32>,
          %add3A_162 = arith.constant 16 : i32
          %add3A_163 = arith.addi %squeeze3A_146, %add3A_162 : i32
          %get3A_164 = arith.index_cast %add3A_163 : i32 to index
          %get3A_165 = tpu.vector_load %arg5[%get3A_164] {strides = array<i32>} : memref<12800xf32, #tpu.memory_space<vmem>>, vector<16xf32>,
          %add3A_166 = arith.constant 16 : i32
          %add3A_167 = arith.addi %mul3A_150, %add3A_166 : i32
          %swap3A_168 = arith.constant 0 : i32
          %swap3A_169 = tpu.memref_slice %arg7[%rem3A_68, %swap3A_168] : memref<3x32768xf32, #tpu.memory_space<vmem>> -> memref<1x32768xf32, #tpu.memory_space<vmem>>
          %swap3A_170 = tpu.memref_squeeze %swap3A_169 : memref<1x32768xf32, #tpu.memory_space<vmem>> -> memref<32768xf32, #tpu.memory_space<vmem>>
          %swap3A_171 = arith.index_cast %add3A_167 : i32 to index
          %swap3A_172 = tpu.vector_load %swap3A_170[%swap3A_171] {strides = array<i32>} : memref<32768xf32, #tpu.memory_space<vmem>>, vector<16xf32>,
          tpu.vector_store %swap3A_170[%swap3A_171], %get3A_165 {strides = array<i32>} : memref<32768xf32, #tpu.memory_space<vmem>>, vector<16xf32>,
          %add3A_173 = arith.constant 32 : i32
          %add3A_174 = arith.addi %squeeze3A_146, %add3A_173 : i32
          %get3A_175 = arith.index_cast %add3A_174 : i32 to index
          %get3A_176 = tpu.vector_load %arg5[%get3A_175] {strides = array<i32>} : memref<12800xf32, #tpu.memory_space<vmem>>, vector<16xf32>,
          %add3A_177 = arith.constant 32 : i32
          %add3A_178 = arith.addi %mul3A_150, %add3A_177 : i32
          %swap3A_179 = arith.constant 0 : i32
          %swap3A_180 = tpu.memref_slice %arg7[%rem3A_68, %swap3A_179] : memref<3x32768xf32, #tpu.memory_space<vmem>> -> memref<1x32768xf32, #tpu.memory_space<vmem>>
          %swap3A_181 = tpu.memref_squeeze %swap3A_180 : memref<1x32768xf32, #tpu.memory_space<vmem>> -> memref<32768xf32, #tpu.memory_space<vmem>>
          %swap3A_182 = arith.index_cast %add3A_178 : i32 to index
          %swap3A_183 = tpu.vector_load %swap3A_181[%swap3A_182] {strides = array<i32>} : memref<32768xf32, #tpu.memory_space<vmem>>, vector<16xf32>,
          tpu.vector_store %swap3A_181[%swap3A_182], %get3A_176 {strides = array<i32>} : memref<32768xf32, #tpu.memory_space<vmem>>, vector<16xf32>,
          %add3A_184 = arith.constant 48 : i32
          %add3A_185 = arith.addi %squeeze3A_146, %add3A_184 : i32
          %get3A_186 = arith.index_cast %add3A_185 : i32 to index
          %get3A_187 = tpu.vector_load %arg5[%get3A_186] {strides = array<i32>} : memref<12800xf32, #tpu.memory_space<vmem>>, vector<16xf32>,
          %add3A_188 = arith.constant 48 : i32
          %add3A_189 = arith.addi %mul3A_150, %add3A_188 : i32
          %swap3A_190 = arith.constant 0 : i32
          %swap3A_191 = tpu.memref_slice %arg7[%rem3A_68, %swap3A_190] : memref<3x32768xf32, #tpu.memory_space<vmem>> -> memref<1x32768xf32, #tpu.memory_space<vmem>>
          %swap3A_192 = tpu.memref_squeeze %swap3A_191 : memref<1x32768xf32, #tpu.memory_space<vmem>> -> memref<32768xf32, #tpu.memory_space<vmem>>
          %swap3A_193 = arith.index_cast %add3A_189 : i32 to index
          %swap3A_194 = tpu.vector_load %swap3A_192[%swap3A_193] {strides = array<i32>} : memref<32768xf32, #tpu.memory_space<vmem>>, vector<16xf32>,
          tpu.vector_store %swap3A_192[%swap3A_193], %get3A_187 {strides = array<i32>} : memref<32768xf32, #tpu.memory_space<vmem>>, vector<16xf32>,
          %slice3A_195 = vector.extract_strided_slice %mul3A_97 {offsets = [2], sizes = [1], strides = [1]} : vector<16xi32> to vector<1xi32>
          %squeeze3A_196 = vector.extract %slice3A_195[0] : i32 from vector<1xi32>
          %add3A_197 = arith.constant 2 : i32
          %add3A_198 = arith.addi %mul3A_92, %add3A_197 : i32
          %mul3A_199 = arith.constant 64 : i32
          %mul3A_200 = arith.muli %add3A_198, %mul3A_199 : i32
          %add3A_201 = arith.constant 0 : i32
          %add3A_202 = arith.addi %squeeze3A_196, %add3A_201 : i32
          %get3A_203 = arith.index_cast %add3A_202 : i32 to index
          %get3A_204 = tpu.vector_load %arg5[%get3A_203] {strides = array<i32>} : memref<12800xf32, #tpu.memory_space<vmem>>, vector<16xf32>,
          %add3A_205 = arith.constant 0 : i32
          %add3A_206 = arith.addi %mul3A_200, %add3A_205 : i32
          %swap3A_207 = arith.constant 0 : i32
          %swap3A_208 = tpu.memref_slice %arg7[%rem3A_68, %swap3A_207] : memref<3x32768xf32, #tpu.memory_space<vmem>> -> memref<1x32768xf32, #tpu.memory_space<vmem>>
          %swap3A_209 = tpu.memref_squeeze %swap3A_208 : memref<1x32768xf32, #tpu.memory_space<vmem>> -> memref<32768xf32, #tpu.memory_space<vmem>>
          %swap3A_210 = arith.index_cast %add3A_206 : i32 to index
          %swap3A_211 = tpu.vector_load %swap3A_209[%swap3A_210] {strides = array<i32>} : memref<32768xf32, #tpu.memory_space<vmem>>, vector<16xf32>,
          tpu.vector_store %swap3A_209[%swap3A_210], %get3A_204 {strides = array<i32>} : memref<32768xf32, #tpu.memory_space<vmem>>, vector<16xf32>,
          %add3A_212 = arith.constant 16 : i32
          %add3A_213 = arith.addi %squeeze3A_196, %add3A_212 : i32
          %get3A_214 = arith.index_cast %add3A_213 : i32 to index
          %get3A_215 = tpu.vector_load %arg5[%get3A_214] {strides = array<i32>} : memref<12800xf32, #tpu.memory_space<vmem>>, vector<16xf32>,
          %add3A_216 = arith.constant 16 : i32
          %add3A_217 = arith.addi %mul3A_200, %add3A_216 : i32
          %swap3A_218 = arith.constant 0 : i32
          %swap3A_219 = tpu.memref_slice %arg7[%rem3A_68, %swap3A_218] : memref<3x32768xf32, #tpu.memory_space<vmem>> -> memref<1x32768xf32, #tpu.memory_space<vmem>>
          %swap3A_220 = tpu.memref_squeeze %swap3A_219 : memref<1x32768xf32, #tpu.memory_space<vmem>> -> memref<32768xf32, #tpu.memory_space<vmem>>
          %swap3A_221 = arith.index_cast %add3A_217 : i32 to index
          %swap3A_222 = tpu.vector_load %swap3A_220[%swap3A_221] {strides = array<i32>} : memref<32768xf32, #tpu.memory_space<vmem>>, vector<16xf32>,
          tpu.vector_store %swap3A_220[%swap3A_221], %get3A_215 {strides = array<i32>} : memref<32768xf32, #tpu.memory_space<vmem>>, vector<16xf32>,
          %add3A_223 = arith.constant 32 : i32
          %add3A_224 = arith.addi %squeeze3A_196, %add3A_223 : i32
          %get3A_225 = arith.index_cast %add3A_224 : i32 to index
          %get3A_226 = tpu.vector_load %arg5[%get3A_225] {strides = array<i32>} : memref<12800xf32, #tpu.memory_space<vmem>>, vector<16xf32>,
          %add3A_227 = arith.constant 32 : i32
          %add3A_228 = arith.addi %mul3A_200, %add3A_227 : i32
          %swap3A_229 = arith.constant 0 : i32
          %swap3A_230 = tpu.memref_slice %arg7[%rem3A_68, %swap3A_229] : memref<3x32768xf32, #tpu.memory_space<vmem>> -> memref<1x32768xf32, #tpu.memory_space<vmem>>
          %swap3A_231 = tpu.memref_squeeze %swap3A_230 : memref<1x32768xf32, #tpu.memory_space<vmem>> -> memref<32768xf32, #tpu.memory_space<vmem>>
          %swap3A_232 = arith.index_cast %add3A_228 : i32 to index
          %swap3A_233 = tpu.vector_load %swap3A_231[%swap3A_232] {strides = array<i32>} : memref<32768xf32, #tpu.memory_space<vmem>>, vector<16xf32>,
          tpu.vector_store %swap3A_231[%swap3A_232], %get3A_226 {strides = array<i32>} : memref<32768xf32, #tpu.memory_space<vmem>>, vector<16xf32>,
          %add3A_234 = arith.constant 48 : i32
          %add3A_235 = arith.addi %squeeze3A_196, %add3A_234 : i32
          %get3A_236 = arith.index_cast %add3A_235 : i32 to index
          %get3A_237 = tpu.vector_load %arg5[%get3A_236] {strides = array<i32>} : memref<12800xf32, #tpu.memory_space<vmem>>, vector<16xf32>,
          %add3A_238 = arith.constant 48 : i32
          %add3A_239 = arith.addi %mul3A_200, %add3A_238 : i32
          %swap3A_240 = arith.constant 0 : i32
          %swap3A_241 = tpu.memref_slice %arg7[%rem3A_68, %swap3A_240] : memref<3x32768xf32, #tpu.memory_space<vmem>> -> memref<1x32768xf32, #tpu.memory_space<vmem>>
          %swap3A_242 = tpu.memref_squeeze %swap3A_241 : memref<1x32768xf32, #tpu.memory_space<vmem>> -> memref<32768xf32, #tpu.memory_space<vmem>>
          %swap3A_243 = arith.index_cast %add3A_239 : i32 to index
          %swap3A_244 = tpu.vector_load %swap3A_242[%swap3A_243] {strides = array<i32>} : memref<32768xf32, #tpu.memory_space<vmem>>, vector<16xf32>,
          tpu.vector_store %swap3A_242[%swap3A_243], %get3A_237 {strides = array<i32>} : memref<32768xf32, #tpu.memory_space<vmem>>, vector<16xf32>,
          %slice3A_245 = vector.extract_strided_slice %mul3A_97 {offsets = [3], sizes = [1], strides = [1]} : vector<16xi32> to vector<1xi32>
          %squeeze3A_246 = vector.extract %slice3A_245[0] : i32 from vector<1xi32>
          %add3A_247 = arith.constant 3 : i32
          %add3A_248 = arith.addi %mul3A_92, %add3A_247 : i32
          %mul3A_249 = arith.constant 64 : i32
          %mul3A_250 = arith.muli %add3A_248, %mul3A_249 : i32
          %add3A_251 = arith.constant 0 : i32
          %add3A_252 = arith.addi %squeeze3A_246, %add3A_251 : i32
          %get3A_253 = arith.index_cast %add3A_252 : i32 to index
          %get3A_254 = tpu.vector_load %arg5[%get3A_253] {strides = array<i32>} : memref<12800xf32, #tpu.memory_space<vmem>>, vector<16xf32>,
          %add3A_255 = arith.constant 0 : i32
          %add3A_256 = arith.addi %mul3A_250, %add3A_255 : i32
          %swap3A_257 = arith.constant 0 : i32
          %swap3A_258 = tpu.memref_slice %arg7[%rem3A_68, %swap3A_257] : memref<3x32768xf32, #tpu.memory_space<vmem>> -> memref<1x32768xf32, #tpu.memory_space<vmem>>
          %swap3A_259 = tpu.memref_squeeze %swap3A_258 : memref<1x32768xf32, #tpu.memory_space<vmem>> -> memref<32768xf32, #tpu.memory_space<vmem>>
          %swap3A_260 = arith.index_cast %add3A_256 : i32 to index
          %swap3A_261 = tpu.vector_load %swap3A_259[%swap3A_260] {strides = array<i32>} : memref<32768xf32, #tpu.memory_space<vmem>>, vector<16xf32>,
          tpu.vector_store %swap3A_259[%swap3A_260], %get3A_254 {strides = array<i32>} : memref<32768xf32, #tpu.memory_space<vmem>>, vector<16xf32>,
          %add3A_262 = arith.constant 16 : i32
          %add3A_263 = arith.addi %squeeze3A_246, %add3A_262 : i32
          %get3A_264 = arith.index_cast %add3A_263 : i32 to index
          %get3A_265 = tpu.vector_load %arg5[%get3A_264] {strides = array<i32>} : memref<12800xf32, #tpu.memory_space<vmem>>, vector<16xf32>,
          %add3A_266 = arith.constant 16 : i32
          %add3A_267 = arith.addi %mul3A_250, %add3A_266 : i32
          %swap3A_268 = arith.constant 0 : i32
          %swap3A_269 = tpu.memref_slice %arg7[%rem3A_68, %swap3A_268] : memref<3x32768xf32, #tpu.memory_space<vmem>> -> memref<1x32768xf32, #tpu.memory_space<vmem>>
          %swap3A_270 = tpu.memref_squeeze %swap3A_269 : memref<1x32768xf32, #tpu.memory_space<vmem>> -> memref<32768xf32, #tpu.memory_space<vmem>>
          %swap3A_271 = arith.index_cast %add3A_267 : i32 to index
          %swap3A_272 = tpu.vector_load %swap3A_270[%swap3A_271] {strides = array<i32>} : memref<32768xf32, #tpu.memory_space<vmem>>, vector<16xf32>,
          tpu.vector_store %swap3A_270[%swap3A_271], %get3A_265 {strides = array<i32>} : memref<32768xf32, #tpu.memory_space<vmem>>, vector<16xf32>,
          %add3A_273 = arith.constant 32 : i32
          %add3A_274 = arith.addi %squeeze3A_246, %add3A_273 : i32
          %get3A_275 = arith.index_cast %add3A_274 : i32 to index
          %get3A_276 = tpu.vector_load %arg5[%get3A_275] {strides = array<i32>} : memref<12800xf32, #tpu.memory_space<vmem>>, vector<16xf32>,
          %add3A_277 = arith.constant 32 : i32
          %add3A_278 = arith.addi %mul3A_250, %add3A_277 : i32
          %swap3A_279 = arith.constant 0 : i32
          %swap3A_280 = tpu.memref_slice %arg7[%rem3A_68, %swap3A_279] : memref<3x32768xf32, #tpu.memory_space<vmem>> -> memref<1x32768xf32, #tpu.memory_space<vmem>>
          %swap3A_281 = tpu.memref_squeeze %swap3A_280 : memref<1x32768xf32, #tpu.memory_space<vmem>> -> memref<32768xf32, #tpu.memory_space<vmem>>
          %swap3A_282 = arith.index_cast %add3A_278 : i32 to index
          %swap3A_283 = tpu.vector_load %swap3A_281[%swap3A_282] {strides = array<i32>} : memref<32768xf32, #tpu.memory_space<vmem>>, vector<16xf32>,
          tpu.vector_store %swap3A_281[%swap3A_282], %get3A_276 {strides = array<i32>} : memref<32768xf32, #tpu.memory_space<vmem>>, vector<16xf32>,
          %add3A_284 = arith.constant 48 : i32
          %add3A_285 = arith.addi %squeeze3A_246, %add3A_284 : i32
          %get3A_286 = arith.index_cast %add3A_285 : i32 to index
          %get3A_287 = tpu.vector_load %arg5[%get3A_286] {strides = array<i32>} : memref<12800xf32, #tpu.memory_space<vmem>>, vector<16xf32>,
          %add3A_288 = arith.constant 48 : i32
          %add3A_289 = arith.addi %mul3A_250, %add3A_288 : i32
          %swap3A_290 = arith.constant 0 : i32
          %swap3A_291 = tpu.memref_slice %arg7[%rem3A_68, %swap3A_290] : memref<3x32768xf32, #tpu.memory_space<vmem>> -> memref<1x32768xf32, #tpu.memory_space<vmem>>
          %swap3A_292 = tpu.memref_squeeze %swap3A_291 : memref<1x32768xf32, #tpu.memory_space<vmem>> -> memref<32768xf32, #tpu.memory_space<vmem>>
          %swap3A_293 = arith.index_cast %add3A_289 : i32 to index
          %swap3A_294 = tpu.vector_load %swap3A_292[%swap3A_293] {strides = array<i32>} : memref<32768xf32, #tpu.memory_space<vmem>>, vector<16xf32>,
          tpu.vector_store %swap3A_292[%swap3A_293], %get3A_287 {strides = array<i32>} : memref<32768xf32, #tpu.memory_space<vmem>>, vector<16xf32>,
          %slice3A_295 = vector.extract_strided_slice %mul3A_97 {offsets = [4], sizes = [1], strides = [1]} : vector<16xi32> to vector<1xi32>
          %squeeze3A_296 = vector.extract %slice3A_295[0] : i32 from vector<1xi32>
          %add3A_297 = arith.constant 4 : i32
          %add3A_298 = arith.addi %mul3A_92, %add3A_297 : i32
          %mul3A_299 = arith.constant 64 : i32
          %mul3A_300 = arith.muli %add3A_298, %mul3A_299 : i32
          %add3A_301 = arith.constant 0 : i32
          %add3A_302 = arith.addi %squeeze3A_296, %add3A_301 : i32
          %get3A_303 = arith.index_cast %add3A_302 : i32 to index
          %get3A_304 = tpu.vector_load %arg5[%get3A_303] {strides = array<i32>} : memref<12800xf32, #tpu.memory_space<vmem>>, vector<16xf32>,
          %add3A_305 = arith.constant 0 : i32
          %add3A_306 = arith.addi %mul3A_300, %add3A_305 : i32
          %swap3A_307 = arith.constant 0 : i32
          %swap3A_308 = tpu.memref_slice %arg7[%rem3A_68, %swap3A_307] : memref<3x32768xf32, #tpu.memory_space<vmem>> -> memref<1x32768xf32, #tpu.memory_space<vmem>>
          %swap3A_309 = tpu.memref_squeeze %swap3A_308 : memref<1x32768xf32, #tpu.memory_space<vmem>> -> memref<32768xf32, #tpu.memory_space<vmem>>
          %swap3A_310 = arith.index_cast %add3A_306 : i32 to index
          %swap3A_311 = tpu.vector_load %swap3A_309[%swap3A_310] {strides = array<i32>} : memref<32768xf32, #tpu.memory_space<vmem>>, vector<16xf32>,
          tpu.vector_store %swap3A_309[%swap3A_310], %get3A_304 {strides = array<i32>} : memref<32768xf32, #tpu.memory_space<vmem>>, vector<16xf32>,
          %add3A_312 = arith.constant 16 : i32
          %add3A_313 = arith.addi %squeeze3A_296, %add3A_312 : i32
          %get3A_314 = arith.index_cast %add3A_313 : i32 to index
          %get3A_315 = tpu.vector_load %arg5[%get3A_314] {strides = array<i32>} : memref<12800xf32, #tpu.memory_space<vmem>>, vector<16xf32>,
          %add3A_316 = arith.constant 16 : i32
          %add3A_317 = arith.addi %mul3A_300, %add3A_316 : i32
          %swap3A_318 = arith.constant 0 : i32
          %swap3A_319 = tpu.memref_slice %arg7[%rem3A_68, %swap3A_318] : memref<3x32768xf32, #tpu.memory_space<vmem>> -> memref<1x32768xf32, #tpu.memory_space<vmem>>
          %swap3A_320 = tpu.memref_squeeze %swap3A_319 : memref<1x32768xf32, #tpu.memory_space<vmem>> -> memref<32768xf32, #tpu.memory_space<vmem>>
          %swap3A_321 = arith.index_cast %add3A_317 : i32 to index
          %swap3A_322 = tpu.vector_load %swap3A_320[%swap3A_321] {strides = array<i32>} : memref<32768xf32, #tpu.memory_space<vmem>>, vector<16xf32>,
          tpu.vector_store %swap3A_320[%swap3A_321], %get3A_315 {strides = array<i32>} : memref<32768xf32, #tpu.memory_space<vmem>>, vector<16xf32>,
          %add3A_323 = arith.constant 32 : i32
          %add3A_324 = arith.addi %squeeze3A_296, %add3A_323 : i32
          %get3A_325 = arith.index_cast %add3A_324 : i32 to index
          %get3A_326 = tpu.vector_load %arg5[%get3A_325] {strides = array<i32>} : memref<12800xf32, #tpu.memory_space<vmem>>, vector<16xf32>,
          %add3A_327 = arith.constant 32 : i32
          %add3A_328 = arith.addi %mul3A_300, %add3A_327 : i32
          %swap3A_329 = arith.constant 0 : i32
          %swap3A_330 = tpu.memref_slice %arg7[%rem3A_68, %swap3A_329] : memref<3x32768xf32, #tpu.memory_space<vmem>> -> memref<1x32768xf32, #tpu.memory_space<vmem>>
          %swap3A_331 = tpu.memref_squeeze %swap3A_330 : memref<1x32768xf32, #tpu.memory_space<vmem>> -> memref<32768xf32, #tpu.memory_space<vmem>>
          %swap3A_332 = arith.index_cast %add3A_328 : i32 to index
          %swap3A_333 = tpu.vector_load %swap3A_331[%swap3A_332] {strides = array<i32>} : memref<32768xf32, #tpu.memory_space<vmem>>, vector<16xf32>,
          tpu.vector_store %swap3A_331[%swap3A_332], %get3A_326 {strides = array<i32>} : memref<32768xf32, #tpu.memory_space<vmem>>, vector<16xf32>,
          %add3A_334 = arith.constant 48 : i32
          %add3A_335 = arith.addi %squeeze3A_296, %add3A_334 : i32
          %get3A_336 = arith.index_cast %add3A_335 : i32 to index
          %get3A_337 = tpu.vector_load %arg5[%get3A_336] {strides = array<i32>} : memref<12800xf32, #tpu.memory_space<vmem>>, vector<16xf32>,
          %add3A_338 = arith.constant 48 : i32
          %add3A_339 = arith.addi %mul3A_300, %add3A_338 : i32
          %swap3A_340 = arith.constant 0 : i32
          %swap3A_341 = tpu.memref_slice %arg7[%rem3A_68, %swap3A_340] : memref<3x32768xf32, #tpu.memory_space<vmem>> -> memref<1x32768xf32, #tpu.memory_space<vmem>>
          %swap3A_342 = tpu.memref_squeeze %swap3A_341 : memref<1x32768xf32, #tpu.memory_space<vmem>> -> memref<32768xf32, #tpu.memory_space<vmem>>
          %swap3A_343 = arith.index_cast %add3A_339 : i32 to index
          %swap3A_344 = tpu.vector_load %swap3A_342[%swap3A_343] {strides = array<i32>} : memref<32768xf32, #tpu.memory_space<vmem>>, vector<16xf32>,
          tpu.vector_store %swap3A_342[%swap3A_343], %get3A_337 {strides = array<i32>} : memref<32768xf32, #tpu.memory_space<vmem>>, vector<16xf32>,
          %slice3A_345 = vector.extract_strided_slice %mul3A_97 {offsets = [5], sizes = [1], strides = [1]} : vector<16xi32> to vector<1xi32>
          %squeeze3A_346 = vector.extract %slice3A_345[0] : i32 from vector<1xi32>
          %add3A_347 = arith.constant 5 : i32
          %add3A_348 = arith.addi %mul3A_92, %add3A_347 : i32
          %mul3A_349 = arith.constant 64 : i32
          %mul3A_350 = arith.muli %add3A_348, %mul3A_349 : i32
          %add3A_351 = arith.constant 0 : i32
          %add3A_352 = arith.addi %squeeze3A_346, %add3A_351 : i32
          %get3A_353 = arith.index_cast %add3A_352 : i32 to index
          %get3A_354 = tpu.vector_load %arg5[%get3A_353] {strides = array<i32>} : memref<12800xf32, #tpu.memory_space<vmem>>, vector<16xf32>,
          %add3A_355 = arith.constant 0 : i32
          %add3A_356 = arith.addi %mul3A_350, %add3A_355 : i32
          %swap3A_357 = arith.constant 0 : i32
          %swap3A_358 = tpu.memref_slice %arg7[%rem3A_68, %swap3A_357] : memref<3x32768xf32, #tpu.memory_space<vmem>> -> memref<1x32768xf32, #tpu.memory_space<vmem>>
          %swap3A_359 = tpu.memref_squeeze %swap3A_358 : memref<1x32768xf32, #tpu.memory_space<vmem>> -> memref<32768xf32, #tpu.memory_space<vmem>>
          %swap3A_360 = arith.index_cast %add3A_356 : i32 to index
          %swap3A_361 = tpu.vector_load %swap3A_359[%swap3A_360] {strides = array<i32>} : memref<32768xf32, #tpu.memory_space<vmem>>, vector<16xf32>,
          tpu.vector_store %swap3A_359[%swap3A_360], %get3A_354 {strides = array<i32>} : memref<32768xf32, #tpu.memory_space<vmem>>, vector<16xf32>,
          %add3A_362 = arith.constant 16 : i32
          %add3A_363 = arith.addi %squeeze3A_346, %add3A_362 : i32
          %get3A_364 = arith.index_cast %add3A_363 : i32 to index
          %get3A_365 = tpu.vector_load %arg5[%get3A_364] {strides = array<i32>} : memref<12800xf32, #tpu.memory_space<vmem>>, vector<16xf32>,
          %add3A_366 = arith.constant 16 : i32
          %add3A_367 = arith.addi %mul3A_350, %add3A_366 : i32
          %swap3A_368 = arith.constant 0 : i32
          %swap3A_369 = tpu.memref_slice %arg7[%rem3A_68, %swap3A_368] : memref<3x32768xf32, #tpu.memory_space<vmem>> -> memref<1x32768xf32, #tpu.memory_space<vmem>>
          %swap3A_370 = tpu.memref_squeeze %swap3A_369 : memref<1x32768xf32, #tpu.memory_space<vmem>> -> memref<32768xf32, #tpu.memory_space<vmem>>
          %swap3A_371 = arith.index_cast %add3A_367 : i32 to index
          %swap3A_372 = tpu.vector_load %swap3A_370[%swap3A_371] {strides = array<i32>} : memref<32768xf32, #tpu.memory_space<vmem>>, vector<16xf32>,
          tpu.vector_store %swap3A_370[%swap3A_371], %get3A_365 {strides = array<i32>} : memref<32768xf32, #tpu.memory_space<vmem>>, vector<16xf32>,
          %add3A_373 = arith.constant 32 : i32
          %add3A_374 = arith.addi %squeeze3A_346, %add3A_373 : i32
          %get3A_375 = arith.index_cast %add3A_374 : i32 to index
          %get3A_376 = tpu.vector_load %arg5[%get3A_375] {strides = array<i32>} : memref<12800xf32, #tpu.memory_space<vmem>>, vector<16xf32>,
          %add3A_377 = arith.constant 32 : i32
          %add3A_378 = arith.addi %mul3A_350, %add3A_377 : i32
          %swap3A_379 = arith.constant 0 : i32
          %swap3A_380 = tpu.memref_slice %arg7[%rem3A_68, %swap3A_379] : memref<3x32768xf32, #tpu.memory_space<vmem>> -> memref<1x32768xf32, #tpu.memory_space<vmem>>
          %swap3A_381 = tpu.memref_squeeze %swap3A_380 : memref<1x32768xf32, #tpu.memory_space<vmem>> -> memref<32768xf32, #tpu.memory_space<vmem>>
          %swap3A_382 = arith.index_cast %add3A_378 : i32 to index
          %swap3A_383 = tpu.vector_load %swap3A_381[%swap3A_382] {strides = array<i32>} : memref<32768xf32, #tpu.memory_space<vmem>>, vector<16xf32>,
          tpu.vector_store %swap3A_381[%swap3A_382], %get3A_376 {strides = array<i32>} : memref<32768xf32, #tpu.memory_space<vmem>>, vector<16xf32>,
          %add3A_384 = arith.constant 48 : i32
          %add3A_385 = arith.addi %squeeze3A_346, %add3A_384 : i32
          %get3A_386 = arith.index_cast %add3A_385 : i32 to index
          %get3A_387 = tpu.vector_load %arg5[%get3A_386] {strides = array<i32>} : memref<12800xf32, #tpu.memory_space<vmem>>, vector<16xf32>,
          %add3A_388 = arith.constant 48 : i32
          %add3A_389 = arith.addi %mul3A_350, %add3A_388 : i32
          %swap3A_390 = arith.constant 0 : i32
          %swap3A_391 = tpu.memref_slice %arg7[%rem3A_68, %swap3A_390] : memref<3x32768xf32, #tpu.memory_space<vmem>> -> memref<1x32768xf32, #tpu.memory_space<vmem>>
          %swap3A_392 = tpu.memref_squeeze %swap3A_391 : memref<1x32768xf32, #tpu.memory_space<vmem>> -> memref<32768xf32, #tpu.memory_space<vmem>>
          %swap3A_393 = arith.index_cast %add3A_389 : i32 to index
          %swap3A_394 = tpu.vector_load %swap3A_392[%swap3A_393] {strides = array<i32>} : memref<32768xf32, #tpu.memory_space<vmem>>, vector<16xf32>,
          tpu.vector_store %swap3A_392[%swap3A_393], %get3A_387 {strides = array<i32>} : memref<32768xf32, #tpu.memory_space<vmem>>, vector<16xf32>,
          %slice3A_395 = vector.extract_strided_slice %mul3A_97 {offsets = [6], sizes = [1], strides = [1]} : vector<16xi32> to vector<1xi32>
          %squeeze3A_396 = vector.extract %slice3A_395[0] : i32 from vector<1xi32>
          %add3A_397 = arith.constant 6 : i32
          %add3A_398 = arith.addi %mul3A_92, %add3A_397 : i32
          %mul3A_399 = arith.constant 64 : i32
          %mul3A_400 = arith.muli %add3A_398, %mul3A_399 : i32
          %add3A_401 = arith.constant 0 : i32
          %add3A_402 = arith.addi %squeeze3A_396, %add3A_401 : i32
          %get3A_403 = arith.index_cast %add3A_402 : i32 to index
          %get3A_404 = tpu.vector_load %arg5[%get3A_403] {strides = array<i32>} : memref<12800xf32, #tpu.memory_space<vmem>>, vector<16xf32>,
          %add3A_405 = arith.constant 0 : i32
          %add3A_406 = arith.addi %mul3A_400, %add3A_405 : i32
          %swap3A_407 = arith.constant 0 : i32
          %swap3A_408 = tpu.memref_slice %arg7[%rem3A_68, %swap3A_407] : memref<3x32768xf32, #tpu.memory_space<vmem>> -> memref<1x32768xf32, #tpu.memory_space<vmem>>
          %swap3A_409 = tpu.memref_squeeze %swap3A_408 : memref<1x32768xf32, #tpu.memory_space<vmem>> -> memref<32768xf32, #tpu.memory_space<vmem>>
          %swap3A_410 = arith.index_cast %add3A_406 : i32 to index
          %swap3A_411 = tpu.vector_load %swap3A_409[%swap3A_410] {strides = array<i32>} : memref<32768xf32, #tpu.memory_space<vmem>>, vector<16xf32>,
          tpu.vector_store %swap3A_409[%swap3A_410], %get3A_404 {strides = array<i32>} : memref<32768xf32, #tpu.memory_space<vmem>>, vector<16xf32>,
          %add3A_412 = arith.constant 16 : i32
          %add3A_413 = arith.addi %squeeze3A_396, %add3A_412 : i32
          %get3A_414 = arith.index_cast %add3A_413 : i32 to index
          %get3A_415 = tpu.vector_load %arg5[%get3A_414] {strides = array<i32>} : memref<12800xf32, #tpu.memory_space<vmem>>, vector<16xf32>,
          %add3A_416 = arith.constant 16 : i32
          %add3A_417 = arith.addi %mul3A_400, %add3A_416 : i32
          %swap3A_418 = arith.constant 0 : i32
          %swap3A_419 = tpu.memref_slice %arg7[%rem3A_68, %swap3A_418] : memref<3x32768xf32, #tpu.memory_space<vmem>> -> memref<1x32768xf32, #tpu.memory_space<vmem>>
          %swap3A_420 = tpu.memref_squeeze %swap3A_419 : memref<1x32768xf32, #tpu.memory_space<vmem>> -> memref<32768xf32, #tpu.memory_space<vmem>>
          %swap3A_421 = arith.index_cast %add3A_417 : i32 to index
          %swap3A_422 = tpu.vector_load %swap3A_420[%swap3A_421] {strides = array<i32>} : memref<32768xf32, #tpu.memory_space<vmem>>, vector<16xf32>,
          tpu.vector_store %swap3A_420[%swap3A_421], %get3A_415 {strides = array<i32>} : memref<32768xf32, #tpu.memory_space<vmem>>, vector<16xf32>,
          %add3A_423 = arith.constant 32 : i32
          %add3A_424 = arith.addi %squeeze3A_396, %add3A_423 : i32
          %get3A_425 = arith.index_cast %add3A_424 : i32 to index
          %get3A_426 = tpu.vector_load %arg5[%get3A_425] {strides = array<i32>} : memref<12800xf32, #tpu.memory_space<vmem>>, vector<16xf32>,
          %add3A_427 = arith.constant 32 : i32
          %add3A_428 = arith.addi %mul3A_400, %add3A_427 : i32
          %swap3A_429 = arith.constant 0 : i32
          %swap3A_430 = tpu.memref_slice %arg7[%rem3A_68, %swap3A_429] : memref<3x32768xf32, #tpu.memory_space<vmem>> -> memref<1x32768xf32, #tpu.memory_space<vmem>>
          %swap3A_431 = tpu.memref_squeeze %swap3A_430 : memref<1x32768xf32, #tpu.memory_space<vmem>> -> memref<32768xf32, #tpu.memory_space<vmem>>
          %swap3A_432 = arith.index_cast %add3A_428 : i32 to index
          %swap3A_433 = tpu.vector_load %swap3A_431[%swap3A_432] {strides = array<i32>} : memref<32768xf32, #tpu.memory_space<vmem>>, vector<16xf32>,
          tpu.vector_store %swap3A_431[%swap3A_432], %get3A_426 {strides = array<i32>} : memref<32768xf32, #tpu.memory_space<vmem>>, vector<16xf32>,
          %add3A_434 = arith.constant 48 : i32
          %add3A_435 = arith.addi %squeeze3A_396, %add3A_434 : i32
          %get3A_436 = arith.index_cast %add3A_435 : i32 to index
          %get3A_437 = tpu.vector_load %arg5[%get3A_436] {strides = array<i32>} : memref<12800xf32, #tpu.memory_space<vmem>>, vector<16xf32>,
          %add3A_438 = arith.constant 48 : i32
          %add3A_439 = arith.addi %mul3A_400, %add3A_438 : i32
          %swap3A_440 = arith.constant 0 : i32
          %swap3A_441 = tpu.memref_slice %arg7[%rem3A_68, %swap3A_440] : memref<3x32768xf32, #tpu.memory_space<vmem>> -> memref<1x32768xf32, #tpu.memory_space<vmem>>
          %swap3A_442 = tpu.memref_squeeze %swap3A_441 : memref<1x32768xf32, #tpu.memory_space<vmem>> -> memref<32768xf32, #tpu.memory_space<vmem>>
          %swap3A_443 = arith.index_cast %add3A_439 : i32 to index
          %swap3A_444 = tpu.vector_load %swap3A_442[%swap3A_443] {strides = array<i32>} : memref<32768xf32, #tpu.memory_space<vmem>>, vector<16xf32>,
          tpu.vector_store %swap3A_442[%swap3A_443], %get3A_437 {strides = array<i32>} : memref<32768xf32, #tpu.memory_space<vmem>>, vector<16xf32>,
          %slice3A_445 = vector.extract_strided_slice %mul3A_97 {offsets = [7], sizes = [1], strides = [1]} : vector<16xi32> to vector<1xi32>
          %squeeze3A_446 = vector.extract %slice3A_445[0] : i32 from vector<1xi32>
          %add3A_447 = arith.constant 7 : i32
          %add3A_448 = arith.addi %mul3A_92, %add3A_447 : i32
          %mul3A_449 = arith.constant 64 : i32
          %mul3A_450 = arith.muli %add3A_448, %mul3A_449 : i32
          %add3A_451 = arith.constant 0 : i32
          %add3A_452 = arith.addi %squeeze3A_446, %add3A_451 : i32
          %get3A_453 = arith.index_cast %add3A_452 : i32 to index
          %get3A_454 = tpu.vector_load %arg5[%get3A_453] {strides = array<i32>} : memref<12800xf32, #tpu.memory_space<vmem>>, vector<16xf32>,
          %add3A_455 = arith.constant 0 : i32
          %add3A_456 = arith.addi %mul3A_450, %add3A_455 : i32
          %swap3A_457 = arith.constant 0 : i32
          %swap3A_458 = tpu.memref_slice %arg7[%rem3A_68, %swap3A_457] : memref<3x32768xf32, #tpu.memory_space<vmem>> -> memref<1x32768xf32, #tpu.memory_space<vmem>>
          %swap3A_459 = tpu.memref_squeeze %swap3A_458 : memref<1x32768xf32, #tpu.memory_space<vmem>> -> memref<32768xf32, #tpu.memory_space<vmem>>
          %swap3A_460 = arith.index_cast %add3A_456 : i32 to index
          %swap3A_461 = tpu.vector_load %swap3A_459[%swap3A_460] {strides = array<i32>} : memref<32768xf32, #tpu.memory_space<vmem>>, vector<16xf32>,
          tpu.vector_store %swap3A_459[%swap3A_460], %get3A_454 {strides = array<i32>} : memref<32768xf32, #tpu.memory_space<vmem>>, vector<16xf32>,
          %add3A_462 = arith.constant 16 : i32
          %add3A_463 = arith.addi %squeeze3A_446, %add3A_462 : i32
          %get3A_464 = arith.index_cast %add3A_463 : i32 to index
          %get3A_465 = tpu.vector_load %arg5[%get3A_464] {strides = array<i32>} : memref<12800xf32, #tpu.memory_space<vmem>>, vector<16xf32>,
          %add3A_466 = arith.constant 16 : i32
          %add3A_467 = arith.addi %mul3A_450, %add3A_466 : i32
          %swap3A_468 = arith.constant 0 : i32
          %swap3A_469 = tpu.memref_slice %arg7[%rem3A_68, %swap3A_468] : memref<3x32768xf32, #tpu.memory_space<vmem>> -> memref<1x32768xf32, #tpu.memory_space<vmem>>
          %swap3A_470 = tpu.memref_squeeze %swap3A_469 : memref<1x32768xf32, #tpu.memory_space<vmem>> -> memref<32768xf32, #tpu.memory_space<vmem>>
          %swap3A_471 = arith.index_cast %add3A_467 : i32 to index
          %swap3A_472 = tpu.vector_load %swap3A_470[%swap3A_471] {strides = array<i32>} : memref<32768xf32, #tpu.memory_space<vmem>>, vector<16xf32>,
          tpu.vector_store %swap3A_470[%swap3A_471], %get3A_465 {strides = array<i32>} : memref<32768xf32, #tpu.memory_space<vmem>>, vector<16xf32>,
          %add3A_473 = arith.constant 32 : i32
          %add3A_474 = arith.addi %squeeze3A_446, %add3A_473 : i32
          %get3A_475 = arith.index_cast %add3A_474 : i32 to index
          %get3A_476 = tpu.vector_load %arg5[%get3A_475] {strides = array<i32>} : memref<12800xf32, #tpu.memory_space<vmem>>, vector<16xf32>,
          %add3A_477 = arith.constant 32 : i32
          %add3A_478 = arith.addi %mul3A_450, %add3A_477 : i32
          %swap3A_479 = arith.constant 0 : i32
          %swap3A_480 = tpu.memref_slice %arg7[%rem3A_68, %swap3A_479] : memref<3x32768xf32, #tpu.memory_space<vmem>> -> memref<1x32768xf32, #tpu.memory_space<vmem>>
          %swap3A_481 = tpu.memref_squeeze %swap3A_480 : memref<1x32768xf32, #tpu.memory_space<vmem>> -> memref<32768xf32, #tpu.memory_space<vmem>>
          %swap3A_482 = arith.index_cast %add3A_478 : i32 to index
          %swap3A_483 = tpu.vector_load %swap3A_481[%swap3A_482] {strides = array<i32>} : memref<32768xf32, #tpu.memory_space<vmem>>, vector<16xf32>,
          tpu.vector_store %swap3A_481[%swap3A_482], %get3A_476 {strides = array<i32>} : memref<32768xf32, #tpu.memory_space<vmem>>, vector<16xf32>,
          %add3A_484 = arith.constant 48 : i32
          %add3A_485 = arith.addi %squeeze3A_446, %add3A_484 : i32
          %get3A_486 = arith.index_cast %add3A_485 : i32 to index
          %get3A_487 = tpu.vector_load %arg5[%get3A_486] {strides = array<i32>} : memref<12800xf32, #tpu.memory_space<vmem>>, vector<16xf32>,
          %add3A_488 = arith.constant 48 : i32
          %add3A_489 = arith.addi %mul3A_450, %add3A_488 : i32
          %swap3A_490 = arith.constant 0 : i32
          %swap3A_491 = tpu.memref_slice %arg7[%rem3A_68, %swap3A_490] : memref<3x32768xf32, #tpu.memory_space<vmem>> -> memref<1x32768xf32, #tpu.memory_space<vmem>>
          %swap3A_492 = tpu.memref_squeeze %swap3A_491 : memref<1x32768xf32, #tpu.memory_space<vmem>> -> memref<32768xf32, #tpu.memory_space<vmem>>
          %swap3A_493 = arith.index_cast %add3A_489 : i32 to index
          %swap3A_494 = tpu.vector_load %swap3A_492[%swap3A_493] {strides = array<i32>} : memref<32768xf32, #tpu.memory_space<vmem>>, vector<16xf32>,
          tpu.vector_store %swap3A_492[%swap3A_493], %get3A_487 {strides = array<i32>} : memref<32768xf32, #tpu.memory_space<vmem>>, vector<16xf32>,
          %slice3A_495 = vector.extract_strided_slice %mul3A_97 {offsets = [8], sizes = [1], strides = [1]} : vector<16xi32> to vector<1xi32>
          %squeeze3A_496 = vector.extract %slice3A_495[0] : i32 from vector<1xi32>
          %add3A_497 = arith.constant 8 : i32
          %add3A_498 = arith.addi %mul3A_92, %add3A_497 : i32
          %mul3A_499 = arith.constant 64 : i32
          %mul3A_500 = arith.muli %add3A_498, %mul3A_499 : i32
          %add3A_501 = arith.constant 0 : i32
          %add3A_502 = arith.addi %squeeze3A_496, %add3A_501 : i32
          %get3A_503 = arith.index_cast %add3A_502 : i32 to index
          %get3A_504 = tpu.vector_load %arg5[%get3A_503] {strides = array<i32>} : memref<12800xf32, #tpu.memory_space<vmem>>, vector<16xf32>,
          %add3A_505 = arith.constant 0 : i32
          %add3A_506 = arith.addi %mul3A_500, %add3A_505 : i32
          %swap3A_507 = arith.constant 0 : i32
          %swap3A_508 = tpu.memref_slice %arg7[%rem3A_68, %swap3A_507] : memref<3x32768xf32, #tpu.memory_space<vmem>> -> memref<1x32768xf32, #tpu.memory_space<vmem>>
          %swap3A_509 = tpu.memref_squeeze %swap3A_508 : memref<1x32768xf32, #tpu.memory_space<vmem>> -> memref<32768xf32, #tpu.memory_space<vmem>>
          %swap3A_510 = arith.index_cast %add3A_506 : i32 to index
          %swap3A_511 = tpu.vector_load %swap3A_509[%swap3A_510] {strides = array<i32>} : memref<32768xf32, #tpu.memory_space<vmem>>, vector<16xf32>,
          tpu.vector_store %swap3A_509[%swap3A_510], %get3A_504 {strides = array<i32>} : memref<32768xf32, #tpu.memory_space<vmem>>, vector<16xf32>,
          %add3A_512 = arith.constant 16 : i32
          %add3A_513 = arith.addi %squeeze3A_496, %add3A_512 : i32
          %get3A_514 = arith.index_cast %add3A_513 : i32 to index
          %get3A_515 = tpu.vector_load %arg5[%get3A_514] {strides = array<i32>} : memref<12800xf32, #tpu.memory_space<vmem>>, vector<16xf32>,
          %add3A_516 = arith.constant 16 : i32
          %add3A_517 = arith.addi %mul3A_500, %add3A_516 : i32
          %swap3A_518 = arith.constant 0 : i32
          %swap3A_519 = tpu.memref_slice %arg7[%rem3A_68, %swap3A_518] : memref<3x32768xf32, #tpu.memory_space<vmem>> -> memref<1x32768xf32, #tpu.memory_space<vmem>>
          %swap3A_520 = tpu.memref_squeeze %swap3A_519 : memref<1x32768xf32, #tpu.memory_space<vmem>> -> memref<32768xf32, #tpu.memory_space<vmem>>
          %swap3A_521 = arith.index_cast %add3A_517 : i32 to index
          %swap3A_522 = tpu.vector_load %swap3A_520[%swap3A_521] {strides = array<i32>} : memref<32768xf32, #tpu.memory_space<vmem>>, vector<16xf32>,
          tpu.vector_store %swap3A_520[%swap3A_521], %get3A_515 {strides = array<i32>} : memref<32768xf32, #tpu.memory_space<vmem>>, vector<16xf32>,
          %add3A_523 = arith.constant 32 : i32
          %add3A_524 = arith.addi %squeeze3A_496, %add3A_523 : i32
          %get3A_525 = arith.index_cast %add3A_524 : i32 to index
          %get3A_526 = tpu.vector_load %arg5[%get3A_525] {strides = array<i32>} : memref<12800xf32, #tpu.memory_space<vmem>>, vector<16xf32>,
          %add3A_527 = arith.constant 32 : i32
          %add3A_528 = arith.addi %mul3A_500, %add3A_527 : i32
          %swap3A_529 = arith.constant 0 : i32
          %swap3A_530 = tpu.memref_slice %arg7[%rem3A_68, %swap3A_529] : memref<3x32768xf32, #tpu.memory_space<vmem>> -> memref<1x32768xf32, #tpu.memory_space<vmem>>
          %swap3A_531 = tpu.memref_squeeze %swap3A_530 : memref<1x32768xf32, #tpu.memory_space<vmem>> -> memref<32768xf32, #tpu.memory_space<vmem>>
          %swap3A_532 = arith.index_cast %add3A_528 : i32 to index
          %swap3A_533 = tpu.vector_load %swap3A_531[%swap3A_532] {strides = array<i32>} : memref<32768xf32, #tpu.memory_space<vmem>>, vector<16xf32>,
          tpu.vector_store %swap3A_531[%swap3A_532], %get3A_526 {strides = array<i32>} : memref<32768xf32, #tpu.memory_space<vmem>>, vector<16xf32>,
          %add3A_534 = arith.constant 48 : i32
          %add3A_535 = arith.addi %squeeze3A_496, %add3A_534 : i32
          %get3A_536 = arith.index_cast %add3A_535 : i32 to index
          %get3A_537 = tpu.vector_load %arg5[%get3A_536] {strides = array<i32>} : memref<12800xf32, #tpu.memory_space<vmem>>, vector<16xf32>,
          %add3A_538 = arith.constant 48 : i32
          %add3A_539 = arith.addi %mul3A_500, %add3A_538 : i32
          %swap3A_540 = arith.constant 0 : i32
          %swap3A_541 = tpu.memref_slice %arg7[%rem3A_68, %swap3A_540] : memref<3x32768xf32, #tpu.memory_space<vmem>> -> memref<1x32768xf32, #tpu.memory_space<vmem>>
          %swap3A_542 = tpu.memref_squeeze %swap3A_541 : memref<1x32768xf32, #tpu.memory_space<vmem>> -> memref<32768xf32, #tpu.memory_space<vmem>>
          %swap3A_543 = arith.index_cast %add3A_539 : i32 to index
          %swap3A_544 = tpu.vector_load %swap3A_542[%swap3A_543] {strides = array<i32>} : memref<32768xf32, #tpu.memory_space<vmem>>, vector<16xf32>,
          tpu.vector_store %swap3A_542[%swap3A_543], %get3A_537 {strides = array<i32>} : memref<32768xf32, #tpu.memory_space<vmem>>, vector<16xf32>,
          %slice3A_545 = vector.extract_strided_slice %mul3A_97 {offsets = [9], sizes = [1], strides = [1]} : vector<16xi32> to vector<1xi32>
          %squeeze3A_546 = vector.extract %slice3A_545[0] : i32 from vector<1xi32>
          %add3A_547 = arith.constant 9 : i32
          %add3A_548 = arith.addi %mul3A_92, %add3A_547 : i32
          %mul3A_549 = arith.constant 64 : i32
          %mul3A_550 = arith.muli %add3A_548, %mul3A_549 : i32
          %add3A_551 = arith.constant 0 : i32
          %add3A_552 = arith.addi %squeeze3A_546, %add3A_551 : i32
          %get3A_553 = arith.index_cast %add3A_552 : i32 to index
          %get3A_554 = tpu.vector_load %arg5[%get3A_553] {strides = array<i32>} : memref<12800xf32, #tpu.memory_space<vmem>>, vector<16xf32>,
          %add3A_555 = arith.constant 0 : i32
          %add3A_556 = arith.addi %mul3A_550, %add3A_555 : i32
          %swap3A_557 = arith.constant 0 : i32
          %swap3A_558 = tpu.memref_slice %arg7[%rem3A_68, %swap3A_557] : memref<3x32768xf32, #tpu.memory_space<vmem>> -> memref<1x32768xf32, #tpu.memory_space<vmem>>
          %swap3A_559 = tpu.memref_squeeze %swap3A_558 : memref<1x32768xf32, #tpu.memory_space<vmem>> -> memref<32768xf32, #tpu.memory_space<vmem>>
          %swap3A_560 = arith.index_cast %add3A_556 : i32 to index
          %swap3A_561 = tpu.vector_load %swap3A_559[%swap3A_560] {strides = array<i32>} : memref<32768xf32, #tpu.memory_space<vmem>>, vector<16xf32>,
          tpu.vector_store %swap3A_559[%swap3A_560], %get3A_554 {strides = array<i32>} : memref<32768xf32, #tpu.memory_space<vmem>>, vector<16xf32>,
          %add3A_562 = arith.constant 16 : i32
          %add3A_563 = arith.addi %squeeze3A_546, %add3A_562 : i32
          %get3A_564 = arith.index_cast %add3A_563 : i32 to index
          %get3A_565 = tpu.vector_load %arg5[%get3A_564] {strides = array<i32>} : memref<12800xf32, #tpu.memory_space<vmem>>, vector<16xf32>,
          %add3A_566 = arith.constant 16 : i32
          %add3A_567 = arith.addi %mul3A_550, %add3A_566 : i32
          %swap3A_568 = arith.constant 0 : i32
          %swap3A_569 = tpu.memref_slice %arg7[%rem3A_68, %swap3A_568] : memref<3x32768xf32, #tpu.memory_space<vmem>> -> memref<1x32768xf32, #tpu.memory_space<vmem>>
          %swap3A_570 = tpu.memref_squeeze %swap3A_569 : memref<1x32768xf32, #tpu.memory_space<vmem>> -> memref<32768xf32, #tpu.memory_space<vmem>>
          %swap3A_571 = arith.index_cast %add3A_567 : i32 to index
          %swap3A_572 = tpu.vector_load %swap3A_570[%swap3A_571] {strides = array<i32>} : memref<32768xf32, #tpu.memory_space<vmem>>, vector<16xf32>,
          tpu.vector_store %swap3A_570[%swap3A_571], %get3A_565 {strides = array<i32>} : memref<32768xf32, #tpu.memory_space<vmem>>, vector<16xf32>,
          %add3A_573 = arith.constant 32 : i32
          %add3A_574 = arith.addi %squeeze3A_546, %add3A_573 : i32
          %get3A_575 = arith.index_cast %add3A_574 : i32 to index
          %get3A_576 = tpu.vector_load %arg5[%get3A_575] {strides = array<i32>} : memref<12800xf32, #tpu.memory_space<vmem>>, vector<16xf32>,
          %add3A_577 = arith.constant 32 : i32
          %add3A_578 = arith.addi %mul3A_550, %add3A_577 : i32
          %swap3A_579 = arith.constant 0 : i32
          %swap3A_580 = tpu.memref_slice %arg7[%rem3A_68, %swap3A_579] : memref<3x32768xf32, #tpu.memory_space<vmem>> -> memref<1x32768xf32, #tpu.memory_space<vmem>>
          %swap3A_581 = tpu.memref_squeeze %swap3A_580 : memref<1x32768xf32, #tpu.memory_space<vmem>> -> memref<32768xf32, #tpu.memory_space<vmem>>
          %swap3A_582 = arith.index_cast %add3A_578 : i32 to index
          %swap3A_583 = tpu.vector_load %swap3A_581[%swap3A_582] {strides = array<i32>} : memref<32768xf32, #tpu.memory_space<vmem>>, vector<16xf32>,
          tpu.vector_store %swap3A_581[%swap3A_582], %get3A_576 {strides = array<i32>} : memref<32768xf32, #tpu.memory_space<vmem>>, vector<16xf32>,
          %add3A_584 = arith.constant 48 : i32
          %add3A_585 = arith.addi %squeeze3A_546, %add3A_584 : i32
          %get3A_586 = arith.index_cast %add3A_585 : i32 to index
          %get3A_587 = tpu.vector_load %arg5[%get3A_586] {strides = array<i32>} : memref<12800xf32, #tpu.memory_space<vmem>>, vector<16xf32>,
          %add3A_588 = arith.constant 48 : i32
          %add3A_589 = arith.addi %mul3A_550, %add3A_588 : i32
          %swap3A_590 = arith.constant 0 : i32
          %swap3A_591 = tpu.memref_slice %arg7[%rem3A_68, %swap3A_590] : memref<3x32768xf32, #tpu.memory_space<vmem>> -> memref<1x32768xf32, #tpu.memory_space<vmem>>
          %swap3A_592 = tpu.memref_squeeze %swap3A_591 : memref<1x32768xf32, #tpu.memory_space<vmem>> -> memref<32768xf32, #tpu.memory_space<vmem>>
          %swap3A_593 = arith.index_cast %add3A_589 : i32 to index
          %swap3A_594 = tpu.vector_load %swap3A_592[%swap3A_593] {strides = array<i32>} : memref<32768xf32, #tpu.memory_space<vmem>>, vector<16xf32>,
          tpu.vector_store %swap3A_592[%swap3A_593], %get3A_587 {strides = array<i32>} : memref<32768xf32, #tpu.memory_space<vmem>>, vector<16xf32>,
          %slice3A_595 = vector.extract_strided_slice %mul3A_97 {offsets = [10], sizes = [1], strides = [1]} : vector<16xi32> to vector<1xi32>
          %squeeze3A_596 = vector.extract %slice3A_595[0] : i32 from vector<1xi32>
          %add3A_597 = arith.constant 10 : i32
          %add3A_598 = arith.addi %mul3A_92, %add3A_597 : i32
          %mul3A_599 = arith.constant 64 : i32
          %mul3A_600 = arith.muli %add3A_598, %mul3A_599 : i32
          %add3A_601 = arith.constant 0 : i32
          %add3A_602 = arith.addi %squeeze3A_596, %add3A_601 : i32
          %get3A_603 = arith.index_cast %add3A_602 : i32 to index
          %get3A_604 = tpu.vector_load %arg5[%get3A_603] {strides = array<i32>} : memref<12800xf32, #tpu.memory_space<vmem>>, vector<16xf32>,
          %add3A_605 = arith.constant 0 : i32
          %add3A_606 = arith.addi %mul3A_600, %add3A_605 : i32
          %swap3A_607 = arith.constant 0 : i32
          %swap3A_608 = tpu.memref_slice %arg7[%rem3A_68, %swap3A_607] : memref<3x32768xf32, #tpu.memory_space<vmem>> -> memref<1x32768xf32, #tpu.memory_space<vmem>>
          %swap3A_609 = tpu.memref_squeeze %swap3A_608 : memref<1x32768xf32, #tpu.memory_space<vmem>> -> memref<32768xf32, #tpu.memory_space<vmem>>
          %swap3A_610 = arith.index_cast %add3A_606 : i32 to index
          %swap3A_611 = tpu.vector_load %swap3A_609[%swap3A_610] {strides = array<i32>} : memref<32768xf32, #tpu.memory_space<vmem>>, vector<16xf32>,
          tpu.vector_store %swap3A_609[%swap3A_610], %get3A_604 {strides = array<i32>} : memref<32768xf32, #tpu.memory_space<vmem>>, vector<16xf32>,
          %add3A_612 = arith.constant 16 : i32
          %add3A_613 = arith.addi %squeeze3A_596, %add3A_612 : i32
          %get3A_614 = arith.index_cast %add3A_613 : i32 to index
          %get3A_615 = tpu.vector_load %arg5[%get3A_614] {strides = array<i32>} : memref<12800xf32, #tpu.memory_space<vmem>>, vector<16xf32>,
          %add3A_616 = arith.constant 16 : i32
          %add3A_617 = arith.addi %mul3A_600, %add3A_616 : i32
          %swap3A_618 = arith.constant 0 : i32
          %swap3A_619 = tpu.memref_slice %arg7[%rem3A_68, %swap3A_618] : memref<3x32768xf32, #tpu.memory_space<vmem>> -> memref<1x32768xf32, #tpu.memory_space<vmem>>
          %swap3A_620 = tpu.memref_squeeze %swap3A_619 : memref<1x32768xf32, #tpu.memory_space<vmem>> -> memref<32768xf32, #tpu.memory_space<vmem>>
          %swap3A_621 = arith.index_cast %add3A_617 : i32 to index
          %swap3A_622 = tpu.vector_load %swap3A_620[%swap3A_621] {strides = array<i32>} : memref<32768xf32, #tpu.memory_space<vmem>>, vector<16xf32>,
          tpu.vector_store %swap3A_620[%swap3A_621], %get3A_615 {strides = array<i32>} : memref<32768xf32, #tpu.memory_space<vmem>>, vector<16xf32>,
          %add3A_623 = arith.constant 32 : i32
          %add3A_624 = arith.addi %squeeze3A_596, %add3A_623 : i32
          %get3A_625 = arith.index_cast %add3A_624 : i32 to index
          %get3A_626 = tpu.vector_load %arg5[%get3A_625] {strides = array<i32>} : memref<12800xf32, #tpu.memory_space<vmem>>, vector<16xf32>,
          %add3A_627 = arith.constant 32 : i32
          %add3A_628 = arith.addi %mul3A_600, %add3A_627 : i32
          %swap3A_629 = arith.constant 0 : i32
          %swap3A_630 = tpu.memref_slice %arg7[%rem3A_68, %swap3A_629] : memref<3x32768xf32, #tpu.memory_space<vmem>> -> memref<1x32768xf32, #tpu.memory_space<vmem>>
          %swap3A_631 = tpu.memref_squeeze %swap3A_630 : memref<1x32768xf32, #tpu.memory_space<vmem>> -> memref<32768xf32, #tpu.memory_space<vmem>>
          %swap3A_632 = arith.index_cast %add3A_628 : i32 to index
          %swap3A_633 = tpu.vector_load %swap3A_631[%swap3A_632] {strides = array<i32>} : memref<32768xf32, #tpu.memory_space<vmem>>, vector<16xf32>,
          tpu.vector_store %swap3A_631[%swap3A_632], %get3A_626 {strides = array<i32>} : memref<32768xf32, #tpu.memory_space<vmem>>, vector<16xf32>,
          %add3A_634 = arith.constant 48 : i32
          %add3A_635 = arith.addi %squeeze3A_596, %add3A_634 : i32
          %get3A_636 = arith.index_cast %add3A_635 : i32 to index
          %get3A_637 = tpu.vector_load %arg5[%get3A_636] {strides = array<i32>} : memref<12800xf32, #tpu.memory_space<vmem>>, vector<16xf32>,
          %add3A_638 = arith.constant 48 : i32
          %add3A_639 = arith.addi %mul3A_600, %add3A_638 : i32
          %swap3A_640 = arith.constant 0 : i32
          %swap3A_641 = tpu.memref_slice %arg7[%rem3A_68, %swap3A_640] : memref<3x32768xf32, #tpu.memory_space<vmem>> -> memref<1x32768xf32, #tpu.memory_space<vmem>>
          %swap3A_642 = tpu.memref_squeeze %swap3A_641 : memref<1x32768xf32, #tpu.memory_space<vmem>> -> memref<32768xf32, #tpu.memory_space<vmem>>
          %swap3A_643 = arith.index_cast %add3A_639 : i32 to index
          %swap3A_644 = tpu.vector_load %swap3A_642[%swap3A_643] {strides = array<i32>} : memref<32768xf32, #tpu.memory_space<vmem>>, vector<16xf32>,
          tpu.vector_store %swap3A_642[%swap3A_643], %get3A_637 {strides = array<i32>} : memref<32768xf32, #tpu.memory_space<vmem>>, vector<16xf32>,
          %slice3A_645 = vector.extract_strided_slice %mul3A_97 {offsets = [11], sizes = [1], strides = [1]} : vector<16xi32> to vector<1xi32>
          %squeeze3A_646 = vector.extract %slice3A_645[0] : i32 from vector<1xi32>
          %add3A_647 = arith.constant 11 : i32
          %add3A_648 = arith.addi %mul3A_92, %add3A_647 : i32
          %mul3A_649 = arith.constant 64 : i32
          %mul3A_650 = arith.muli %add3A_648, %mul3A_649 : i32
          %add3A_651 = arith.constant 0 : i32
          %add3A_652 = arith.addi %squeeze3A_646, %add3A_651 : i32
          %get3A_653 = arith.index_cast %add3A_652 : i32 to index
          %get3A_654 = tpu.vector_load %arg5[%get3A_653] {strides = array<i32>} : memref<12800xf32, #tpu.memory_space<vmem>>, vector<16xf32>,
          %add3A_655 = arith.constant 0 : i32
          %add3A_656 = arith.addi %mul3A_650, %add3A_655 : i32
          %swap3A_657 = arith.constant 0 : i32
          %swap3A_658 = tpu.memref_slice %arg7[%rem3A_68, %swap3A_657] : memref<3x32768xf32, #tpu.memory_space<vmem>> -> memref<1x32768xf32, #tpu.memory_space<vmem>>
          %swap3A_659 = tpu.memref_squeeze %swap3A_658 : memref<1x32768xf32, #tpu.memory_space<vmem>> -> memref<32768xf32, #tpu.memory_space<vmem>>
          %swap3A_660 = arith.index_cast %add3A_656 : i32 to index
          %swap3A_661 = tpu.vector_load %swap3A_659[%swap3A_660] {strides = array<i32>} : memref<32768xf32, #tpu.memory_space<vmem>>, vector<16xf32>,
          tpu.vector_store %swap3A_659[%swap3A_660], %get3A_654 {strides = array<i32>} : memref<32768xf32, #tpu.memory_space<vmem>>, vector<16xf32>,
          %add3A_662 = arith.constant 16 : i32
          %add3A_663 = arith.addi %squeeze3A_646, %add3A_662 : i32
          %get3A_664 = arith.index_cast %add3A_663 : i32 to index
          %get3A_665 = tpu.vector_load %arg5[%get3A_664] {strides = array<i32>} : memref<12800xf32, #tpu.memory_space<vmem>>, vector<16xf32>,
          %add3A_666 = arith.constant 16 : i32
          %add3A_667 = arith.addi %mul3A_650, %add3A_666 : i32
          %swap3A_668 = arith.constant 0 : i32
          %swap3A_669 = tpu.memref_slice %arg7[%rem3A_68, %swap3A_668] : memref<3x32768xf32, #tpu.memory_space<vmem>> -> memref<1x32768xf32, #tpu.memory_space<vmem>>
          %swap3A_670 = tpu.memref_squeeze %swap3A_669 : memref<1x32768xf32, #tpu.memory_space<vmem>> -> memref<32768xf32, #tpu.memory_space<vmem>>
          %swap3A_671 = arith.index_cast %add3A_667 : i32 to index
          %swap3A_672 = tpu.vector_load %swap3A_670[%swap3A_671] {strides = array<i32>} : memref<32768xf32, #tpu.memory_space<vmem>>, vector<16xf32>,
          tpu.vector_store %swap3A_670[%swap3A_671], %get3A_665 {strides = array<i32>} : memref<32768xf32, #tpu.memory_space<vmem>>, vector<16xf32>,
          %add3A_673 = arith.constant 32 : i32
          %add3A_674 = arith.addi %squeeze3A_646, %add3A_673 : i32
          %get3A_675 = arith.index_cast %add3A_674 : i32 to index
          %get3A_676 = tpu.vector_load %arg5[%get3A_675] {strides = array<i32>} : memref<12800xf32, #tpu.memory_space<vmem>>, vector<16xf32>,
          %add3A_677 = arith.constant 32 : i32
          %add3A_678 = arith.addi %mul3A_650, %add3A_677 : i32
          %swap3A_679 = arith.constant 0 : i32
          %swap3A_680 = tpu.memref_slice %arg7[%rem3A_68, %swap3A_679] : memref<3x32768xf32, #tpu.memory_space<vmem>> -> memref<1x32768xf32, #tpu.memory_space<vmem>>
          %swap3A_681 = tpu.memref_squeeze %swap3A_680 : memref<1x32768xf32, #tpu.memory_space<vmem>> -> memref<32768xf32, #tpu.memory_space<vmem>>
          %swap3A_682 = arith.index_cast %add3A_678 : i32 to index
          %swap3A_683 = tpu.vector_load %swap3A_681[%swap3A_682] {strides = array<i32>} : memref<32768xf32, #tpu.memory_space<vmem>>, vector<16xf32>,
          tpu.vector_store %swap3A_681[%swap3A_682], %get3A_676 {strides = array<i32>} : memref<32768xf32, #tpu.memory_space<vmem>>, vector<16xf32>,
          %add3A_684 = arith.constant 48 : i32
          %add3A_685 = arith.addi %squeeze3A_646, %add3A_684 : i32
          %get3A_686 = arith.index_cast %add3A_685 : i32 to index
          %get3A_687 = tpu.vector_load %arg5[%get3A_686] {strides = array<i32>} : memref<12800xf32, #tpu.memory_space<vmem>>, vector<16xf32>,
          %add3A_688 = arith.constant 48 : i32
          %add3A_689 = arith.addi %mul3A_650, %add3A_688 : i32
          %swap3A_690 = arith.constant 0 : i32
          %swap3A_691 = tpu.memref_slice %arg7[%rem3A_68, %swap3A_690] : memref<3x32768xf32, #tpu.memory_space<vmem>> -> memref<1x32768xf32, #tpu.memory_space<vmem>>
          %swap3A_692 = tpu.memref_squeeze %swap3A_691 : memref<1x32768xf32, #tpu.memory_space<vmem>> -> memref<32768xf32, #tpu.memory_space<vmem>>
          %swap3A_693 = arith.index_cast %add3A_689 : i32 to index
          %swap3A_694 = tpu.vector_load %swap3A_692[%swap3A_693] {strides = array<i32>} : memref<32768xf32, #tpu.memory_space<vmem>>, vector<16xf32>,
          tpu.vector_store %swap3A_692[%swap3A_693], %get3A_687 {strides = array<i32>} : memref<32768xf32, #tpu.memory_space<vmem>>, vector<16xf32>,
          %slice3A_695 = vector.extract_strided_slice %mul3A_97 {offsets = [12], sizes = [1], strides = [1]} : vector<16xi32> to vector<1xi32>
          %squeeze3A_696 = vector.extract %slice3A_695[0] : i32 from vector<1xi32>
          %add3A_697 = arith.constant 12 : i32
          %add3A_698 = arith.addi %mul3A_92, %add3A_697 : i32
          %mul3A_699 = arith.constant 64 : i32
          %mul3A_700 = arith.muli %add3A_698, %mul3A_699 : i32
          %add3A_701 = arith.constant 0 : i32
          %add3A_702 = arith.addi %squeeze3A_696, %add3A_701 : i32
          %get3A_703 = arith.index_cast %add3A_702 : i32 to index
          %get3A_704 = tpu.vector_load %arg5[%get3A_703] {strides = array<i32>} : memref<12800xf32, #tpu.memory_space<vmem>>, vector<16xf32>,
          %add3A_705 = arith.constant 0 : i32
          %add3A_706 = arith.addi %mul3A_700, %add3A_705 : i32
          %swap3A_707 = arith.constant 0 : i32
          %swap3A_708 = tpu.memref_slice %arg7[%rem3A_68, %swap3A_707] : memref<3x32768xf32, #tpu.memory_space<vmem>> -> memref<1x32768xf32, #tpu.memory_space<vmem>>
          %swap3A_709 = tpu.memref_squeeze %swap3A_708 : memref<1x32768xf32, #tpu.memory_space<vmem>> -> memref<32768xf32, #tpu.memory_space<vmem>>
          %swap3A_710 = arith.index_cast %add3A_706 : i32 to index
          %swap3A_711 = tpu.vector_load %swap3A_709[%swap3A_710] {strides = array<i32>} : memref<32768xf32, #tpu.memory_space<vmem>>, vector<16xf32>,
          tpu.vector_store %swap3A_709[%swap3A_710], %get3A_704 {strides = array<i32>} : memref<32768xf32, #tpu.memory_space<vmem>>, vector<16xf32>,
          %add3A_712 = arith.constant 16 : i32
          %add3A_713 = arith.addi %squeeze3A_696, %add3A_712 : i32
          %get3A_714 = arith.index_cast %add3A_713 : i32 to index
          %get3A_715 = tpu.vector_load %arg5[%get3A_714] {strides = array<i32>} : memref<12800xf32, #tpu.memory_space<vmem>>, vector<16xf32>,
          %add3A_716 = arith.constant 16 : i32
          %add3A_717 = arith.addi %mul3A_700, %add3A_716 : i32
          %swap3A_718 = arith.constant 0 : i32
          %swap3A_719 = tpu.memref_slice %arg7[%rem3A_68, %swap3A_718] : memref<3x32768xf32, #tpu.memory_space<vmem>> -> memref<1x32768xf32, #tpu.memory_space<vmem>>
          %swap3A_720 = tpu.memref_squeeze %swap3A_719 : memref<1x32768xf32, #tpu.memory_space<vmem>> -> memref<32768xf32, #tpu.memory_space<vmem>>
          %swap3A_721 = arith.index_cast %add3A_717 : i32 to index
          %swap3A_722 = tpu.vector_load %swap3A_720[%swap3A_721] {strides = array<i32>} : memref<32768xf32, #tpu.memory_space<vmem>>, vector<16xf32>,
          tpu.vector_store %swap3A_720[%swap3A_721], %get3A_715 {strides = array<i32>} : memref<32768xf32, #tpu.memory_space<vmem>>, vector<16xf32>,
          %add3A_723 = arith.constant 32 : i32
          %add3A_724 = arith.addi %squeeze3A_696, %add3A_723 : i32
          %get3A_725 = arith.index_cast %add3A_724 : i32 to index
          %get3A_726 = tpu.vector_load %arg5[%get3A_725] {strides = array<i32>} : memref<12800xf32, #tpu.memory_space<vmem>>, vector<16xf32>,
          %add3A_727 = arith.constant 32 : i32
          %add3A_728 = arith.addi %mul3A_700, %add3A_727 : i32
          %swap3A_729 = arith.constant 0 : i32
          %swap3A_730 = tpu.memref_slice %arg7[%rem3A_68, %swap3A_729] : memref<3x32768xf32, #tpu.memory_space<vmem>> -> memref<1x32768xf32, #tpu.memory_space<vmem>>
          %swap3A_731 = tpu.memref_squeeze %swap3A_730 : memref<1x32768xf32, #tpu.memory_space<vmem>> -> memref<32768xf32, #tpu.memory_space<vmem>>
          %swap3A_732 = arith.index_cast %add3A_728 : i32 to index
          %swap3A_733 = tpu.vector_load %swap3A_731[%swap3A_732] {strides = array<i32>} : memref<32768xf32, #tpu.memory_space<vmem>>, vector<16xf32>,
          tpu.vector_store %swap3A_731[%swap3A_732], %get3A_726 {strides = array<i32>} : memref<32768xf32, #tpu.memory_space<vmem>>, vector<16xf32>,
          %add3A_734 = arith.constant 48 : i32
          %add3A_735 = arith.addi %squeeze3A_696, %add3A_734 : i32
          %get3A_736 = arith.index_cast %add3A_735 : i32 to index
          %get3A_737 = tpu.vector_load %arg5[%get3A_736] {strides = array<i32>} : memref<12800xf32, #tpu.memory_space<vmem>>, vector<16xf32>,
          %add3A_738 = arith.constant 48 : i32
          %add3A_739 = arith.addi %mul3A_700, %add3A_738 : i32
          %swap3A_740 = arith.constant 0 : i32
          %swap3A_741 = tpu.memref_slice %arg7[%rem3A_68, %swap3A_740] : memref<3x32768xf32, #tpu.memory_space<vmem>> -> memref<1x32768xf32, #tpu.memory_space<vmem>>
          %swap3A_742 = tpu.memref_squeeze %swap3A_741 : memref<1x32768xf32, #tpu.memory_space<vmem>> -> memref<32768xf32, #tpu.memory_space<vmem>>
          %swap3A_743 = arith.index_cast %add3A_739 : i32 to index
          %swap3A_744 = tpu.vector_load %swap3A_742[%swap3A_743] {strides = array<i32>} : memref<32768xf32, #tpu.memory_space<vmem>>, vector<16xf32>,
          tpu.vector_store %swap3A_742[%swap3A_743], %get3A_737 {strides = array<i32>} : memref<32768xf32, #tpu.memory_space<vmem>>, vector<16xf32>,
          %slice3A_745 = vector.extract_strided_slice %mul3A_97 {offsets = [13], sizes = [1], strides = [1]} : vector<16xi32> to vector<1xi32>
          %squeeze3A_746 = vector.extract %slice3A_745[0] : i32 from vector<1xi32>
          %add3A_747 = arith.constant 13 : i32
          %add3A_748 = arith.addi %mul3A_92, %add3A_747 : i32
          %mul3A_749 = arith.constant 64 : i32
          %mul3A_750 = arith.muli %add3A_748, %mul3A_749 : i32
          %add3A_751 = arith.constant 0 : i32
          %add3A_752 = arith.addi %squeeze3A_746, %add3A_751 : i32
          %get3A_753 = arith.index_cast %add3A_752 : i32 to index
          %get3A_754 = tpu.vector_load %arg5[%get3A_753] {strides = array<i32>} : memref<12800xf32, #tpu.memory_space<vmem>>, vector<16xf32>,
          %add3A_755 = arith.constant 0 : i32
          %add3A_756 = arith.addi %mul3A_750, %add3A_755 : i32
          %swap3A_757 = arith.constant 0 : i32
          %swap3A_758 = tpu.memref_slice %arg7[%rem3A_68, %swap3A_757] : memref<3x32768xf32, #tpu.memory_space<vmem>> -> memref<1x32768xf32, #tpu.memory_space<vmem>>
          %swap3A_759 = tpu.memref_squeeze %swap3A_758 : memref<1x32768xf32, #tpu.memory_space<vmem>> -> memref<32768xf32, #tpu.memory_space<vmem>>
          %swap3A_760 = arith.index_cast %add3A_756 : i32 to index
          %swap3A_761 = tpu.vector_load %swap3A_759[%swap3A_760] {strides = array<i32>} : memref<32768xf32, #tpu.memory_space<vmem>>, vector<16xf32>,
          tpu.vector_store %swap3A_759[%swap3A_760], %get3A_754 {strides = array<i32>} : memref<32768xf32, #tpu.memory_space<vmem>>, vector<16xf32>,
          %add3A_762 = arith.constant 16 : i32
          %add3A_763 = arith.addi %squeeze3A_746, %add3A_762 : i32
          %get3A_764 = arith.index_cast %add3A_763 : i32 to index
          %get3A_765 = tpu.vector_load %arg5[%get3A_764] {strides = array<i32>} : memref<12800xf32, #tpu.memory_space<vmem>>, vector<16xf32>,
          %add3A_766 = arith.constant 16 : i32
          %add3A_767 = arith.addi %mul3A_750, %add3A_766 : i32
          %swap3A_768 = arith.constant 0 : i32
          %swap3A_769 = tpu.memref_slice %arg7[%rem3A_68, %swap3A_768] : memref<3x32768xf32, #tpu.memory_space<vmem>> -> memref<1x32768xf32, #tpu.memory_space<vmem>>
          %swap3A_770 = tpu.memref_squeeze %swap3A_769 : memref<1x32768xf32, #tpu.memory_space<vmem>> -> memref<32768xf32, #tpu.memory_space<vmem>>
          %swap3A_771 = arith.index_cast %add3A_767 : i32 to index
          %swap3A_772 = tpu.vector_load %swap3A_770[%swap3A_771] {strides = array<i32>} : memref<32768xf32, #tpu.memory_space<vmem>>, vector<16xf32>,
          tpu.vector_store %swap3A_770[%swap3A_771], %get3A_765 {strides = array<i32>} : memref<32768xf32, #tpu.memory_space<vmem>>, vector<16xf32>,
          %add3A_773 = arith.constant 32 : i32
          %add3A_774 = arith.addi %squeeze3A_746, %add3A_773 : i32
          %get3A_775 = arith.index_cast %add3A_774 : i32 to index
          %get3A_776 = tpu.vector_load %arg5[%get3A_775] {strides = array<i32>} : memref<12800xf32, #tpu.memory_space<vmem>>, vector<16xf32>,
          %add3A_777 = arith.constant 32 : i32
          %add3A_778 = arith.addi %mul3A_750, %add3A_777 : i32
          %swap3A_779 = arith.constant 0 : i32
          %swap3A_780 = tpu.memref_slice %arg7[%rem3A_68, %swap3A_779] : memref<3x32768xf32, #tpu.memory_space<vmem>> -> memref<1x32768xf32, #tpu.memory_space<vmem>>
          %swap3A_781 = tpu.memref_squeeze %swap3A_780 : memref<1x32768xf32, #tpu.memory_space<vmem>> -> memref<32768xf32, #tpu.memory_space<vmem>>
          %swap3A_782 = arith.index_cast %add3A_778 : i32 to index
          %swap3A_783 = tpu.vector_load %swap3A_781[%swap3A_782] {strides = array<i32>} : memref<32768xf32, #tpu.memory_space<vmem>>, vector<16xf32>,
          tpu.vector_store %swap3A_781[%swap3A_782], %get3A_776 {strides = array<i32>} : memref<32768xf32, #tpu.memory_space<vmem>>, vector<16xf32>,
          %add3A_784 = arith.constant 48 : i32
          %add3A_785 = arith.addi %squeeze3A_746, %add3A_784 : i32
          %get3A_786 = arith.index_cast %add3A_785 : i32 to index
          %get3A_787 = tpu.vector_load %arg5[%get3A_786] {strides = array<i32>} : memref<12800xf32, #tpu.memory_space<vmem>>, vector<16xf32>,
          %add3A_788 = arith.constant 48 : i32
          %add3A_789 = arith.addi %mul3A_750, %add3A_788 : i32
          %swap3A_790 = arith.constant 0 : i32
          %swap3A_791 = tpu.memref_slice %arg7[%rem3A_68, %swap3A_790] : memref<3x32768xf32, #tpu.memory_space<vmem>> -> memref<1x32768xf32, #tpu.memory_space<vmem>>
          %swap3A_792 = tpu.memref_squeeze %swap3A_791 : memref<1x32768xf32, #tpu.memory_space<vmem>> -> memref<32768xf32, #tpu.memory_space<vmem>>
          %swap3A_793 = arith.index_cast %add3A_789 : i32 to index
          %swap3A_794 = tpu.vector_load %swap3A_792[%swap3A_793] {strides = array<i32>} : memref<32768xf32, #tpu.memory_space<vmem>>, vector<16xf32>,
          tpu.vector_store %swap3A_792[%swap3A_793], %get3A_787 {strides = array<i32>} : memref<32768xf32, #tpu.memory_space<vmem>>, vector<16xf32>,
          %slice3A_795 = vector.extract_strided_slice %mul3A_97 {offsets = [14], sizes = [1], strides = [1]} : vector<16xi32> to vector<1xi32>
          %squeeze3A_796 = vector.extract %slice3A_795[0] : i32 from vector<1xi32>
          %add3A_797 = arith.constant 14 : i32
          %add3A_798 = arith.addi %mul3A_92, %add3A_797 : i32
          %mul3A_799 = arith.constant 64 : i32
          %mul3A_800 = arith.muli %add3A_798, %mul3A_799 : i32
          %add3A_801 = arith.constant 0 : i32
          %add3A_802 = arith.addi %squeeze3A_796, %add3A_801 : i32
          %get3A_803 = arith.index_cast %add3A_802 : i32 to index
          %get3A_804 = tpu.vector_load %arg5[%get3A_803] {strides = array<i32>} : memref<12800xf32, #tpu.memory_space<vmem>>, vector<16xf32>,
          %add3A_805 = arith.constant 0 : i32
          %add3A_806 = arith.addi %mul3A_800, %add3A_805 : i32
          %swap3A_807 = arith.constant 0 : i32
          %swap3A_808 = tpu.memref_slice %arg7[%rem3A_68, %swap3A_807] : memref<3x32768xf32, #tpu.memory_space<vmem>> -> memref<1x32768xf32, #tpu.memory_space<vmem>>
          %swap3A_809 = tpu.memref_squeeze %swap3A_808 : memref<1x32768xf32, #tpu.memory_space<vmem>> -> memref<32768xf32, #tpu.memory_space<vmem>>
          %swap3A_810 = arith.index_cast %add3A_806 : i32 to index
          %swap3A_811 = tpu.vector_load %swap3A_809[%swap3A_810] {strides = array<i32>} : memref<32768xf32, #tpu.memory_space<vmem>>, vector<16xf32>,
          tpu.vector_store %swap3A_809[%swap3A_810], %get3A_804 {strides = array<i32>} : memref<32768xf32, #tpu.memory_space<vmem>>, vector<16xf32>,
          %add3A_812 = arith.constant 16 : i32
          %add3A_813 = arith.addi %squeeze3A_796, %add3A_812 : i32
          %get3A_814 = arith.index_cast %add3A_813 : i32 to index
          %get3A_815 = tpu.vector_load %arg5[%get3A_814] {strides = array<i32>} : memref<12800xf32, #tpu.memory_space<vmem>>, vector<16xf32>,
          %add3A_816 = arith.constant 16 : i32
          %add3A_817 = arith.addi %mul3A_800, %add3A_816 : i32
          %swap3A_818 = arith.constant 0 : i32
          %swap3A_819 = tpu.memref_slice %arg7[%rem3A_68, %swap3A_818] : memref<3x32768xf32, #tpu.memory_space<vmem>> -> memref<1x32768xf32, #tpu.memory_space<vmem>>
          %swap3A_820 = tpu.memref_squeeze %swap3A_819 : memref<1x32768xf32, #tpu.memory_space<vmem>> -> memref<32768xf32, #tpu.memory_space<vmem>>
          %swap3A_821 = arith.index_cast %add3A_817 : i32 to index
          %swap3A_822 = tpu.vector_load %swap3A_820[%swap3A_821] {strides = array<i32>} : memref<32768xf32, #tpu.memory_space<vmem>>, vector<16xf32>,
          tpu.vector_store %swap3A_820[%swap3A_821], %get3A_815 {strides = array<i32>} : memref<32768xf32, #tpu.memory_space<vmem>>, vector<16xf32>,
          %add3A_823 = arith.constant 32 : i32
          %add3A_824 = arith.addi %squeeze3A_796, %add3A_823 : i32
          %get3A_825 = arith.index_cast %add3A_824 : i32 to index
          %get3A_826 = tpu.vector_load %arg5[%get3A_825] {strides = array<i32>} : memref<12800xf32, #tpu.memory_space<vmem>>, vector<16xf32>,
          %add3A_827 = arith.constant 32 : i32
          %add3A_828 = arith.addi %mul3A_800, %add3A_827 : i32
          %swap3A_829 = arith.constant 0 : i32
          %swap3A_830 = tpu.memref_slice %arg7[%rem3A_68, %swap3A_829] : memref<3x32768xf32, #tpu.memory_space<vmem>> -> memref<1x32768xf32, #tpu.memory_space<vmem>>
          %swap3A_831 = tpu.memref_squeeze %swap3A_830 : memref<1x32768xf32, #tpu.memory_space<vmem>> -> memref<32768xf32, #tpu.memory_space<vmem>>
          %swap3A_832 = arith.index_cast %add3A_828 : i32 to index
          %swap3A_833 = tpu.vector_load %swap3A_831[%swap3A_832] {strides = array<i32>} : memref<32768xf32, #tpu.memory_space<vmem>>, vector<16xf32>,
          tpu.vector_store %swap3A_831[%swap3A_832], %get3A_826 {strides = array<i32>} : memref<32768xf32, #tpu.memory_space<vmem>>, vector<16xf32>,
          %add3A_834 = arith.constant 48 : i32
          %add3A_835 = arith.addi %squeeze3A_796, %add3A_834 : i32
          %get3A_836 = arith.index_cast %add3A_835 : i32 to index
          %get3A_837 = tpu.vector_load %arg5[%get3A_836] {strides = array<i32>} : memref<12800xf32, #tpu.memory_space<vmem>>, vector<16xf32>,
          %add3A_838 = arith.constant 48 : i32
          %add3A_839 = arith.addi %mul3A_800, %add3A_838 : i32
          %swap3A_840 = arith.constant 0 : i32
          %swap3A_841 = tpu.memref_slice %arg7[%rem3A_68, %swap3A_840] : memref<3x32768xf32, #tpu.memory_space<vmem>> -> memref<1x32768xf32, #tpu.memory_space<vmem>>
          %swap3A_842 = tpu.memref_squeeze %swap3A_841 : memref<1x32768xf32, #tpu.memory_space<vmem>> -> memref<32768xf32, #tpu.memory_space<vmem>>
          %swap3A_843 = arith.index_cast %add3A_839 : i32 to index
          %swap3A_844 = tpu.vector_load %swap3A_842[%swap3A_843] {strides = array<i32>} : memref<32768xf32, #tpu.memory_space<vmem>>, vector<16xf32>,
          tpu.vector_store %swap3A_842[%swap3A_843], %get3A_837 {strides = array<i32>} : memref<32768xf32, #tpu.memory_space<vmem>>, vector<16xf32>,
          %slice3A_845 = vector.extract_strided_slice %mul3A_97 {offsets = [15], sizes = [1], strides = [1]} : vector<16xi32> to vector<1xi32>
          %squeeze3A_846 = vector.extract %slice3A_845[0] : i32 from vector<1xi32>
          %add3A_847 = arith.constant 15 : i32
          %add3A_848 = arith.addi %mul3A_92, %add3A_847 : i32
          %mul3A_849 = arith.constant 64 : i32
          %mul3A_850 = arith.muli %add3A_848, %mul3A_849 : i32
          %add3A_851 = arith.constant 0 : i32
          %add3A_852 = arith.addi %squeeze3A_846, %add3A_851 : i32
          %get3A_853 = arith.index_cast %add3A_852 : i32 to index
          %get3A_854 = tpu.vector_load %arg5[%get3A_853] {strides = array<i32>} : memref<12800xf32, #tpu.memory_space<vmem>>, vector<16xf32>,
          %add3A_855 = arith.constant 0 : i32
          %add3A_856 = arith.addi %mul3A_850, %add3A_855 : i32
          %swap3A_857 = arith.constant 0 : i32
          %swap3A_858 = tpu.memref_slice %arg7[%rem3A_68, %swap3A_857] : memref<3x32768xf32, #tpu.memory_space<vmem>> -> memref<1x32768xf32, #tpu.memory_space<vmem>>
          %swap3A_859 = tpu.memref_squeeze %swap3A_858 : memref<1x32768xf32, #tpu.memory_space<vmem>> -> memref<32768xf32, #tpu.memory_space<vmem>>
          %swap3A_860 = arith.index_cast %add3A_856 : i32 to index
          %swap3A_861 = tpu.vector_load %swap3A_859[%swap3A_860] {strides = array<i32>} : memref<32768xf32, #tpu.memory_space<vmem>>, vector<16xf32>,
          tpu.vector_store %swap3A_859[%swap3A_860], %get3A_854 {strides = array<i32>} : memref<32768xf32, #tpu.memory_space<vmem>>, vector<16xf32>,
          %add3A_862 = arith.constant 16 : i32
          %add3A_863 = arith.addi %squeeze3A_846, %add3A_862 : i32
          %get3A_864 = arith.index_cast %add3A_863 : i32 to index
          %get3A_865 = tpu.vector_load %arg5[%get3A_864] {strides = array<i32>} : memref<12800xf32, #tpu.memory_space<vmem>>, vector<16xf32>,
          %add3A_866 = arith.constant 16 : i32
          %add3A_867 = arith.addi %mul3A_850, %add3A_866 : i32
          %swap3A_868 = arith.constant 0 : i32
          %swap3A_869 = tpu.memref_slice %arg7[%rem3A_68, %swap3A_868] : memref<3x32768xf32, #tpu.memory_space<vmem>> -> memref<1x32768xf32, #tpu.memory_space<vmem>>
          %swap3A_870 = tpu.memref_squeeze %swap3A_869 : memref<1x32768xf32, #tpu.memory_space<vmem>> -> memref<32768xf32, #tpu.memory_space<vmem>>
          %swap3A_871 = arith.index_cast %add3A_867 : i32 to index
          %swap3A_872 = tpu.vector_load %swap3A_870[%swap3A_871] {strides = array<i32>} : memref<32768xf32, #tpu.memory_space<vmem>>, vector<16xf32>,
          tpu.vector_store %swap3A_870[%swap3A_871], %get3A_865 {strides = array<i32>} : memref<32768xf32, #tpu.memory_space<vmem>>, vector<16xf32>,
          %add3A_873 = arith.constant 32 : i32
          %add3A_874 = arith.addi %squeeze3A_846, %add3A_873 : i32
          %get3A_875 = arith.index_cast %add3A_874 : i32 to index
          %get3A_876 = tpu.vector_load %arg5[%get3A_875] {strides = array<i32>} : memref<12800xf32, #tpu.memory_space<vmem>>, vector<16xf32>,
          %add3A_877 = arith.constant 32 : i32
          %add3A_878 = arith.addi %mul3A_850, %add3A_877 : i32
          %swap3A_879 = arith.constant 0 : i32
          %swap3A_880 = tpu.memref_slice %arg7[%rem3A_68, %swap3A_879] : memref<3x32768xf32, #tpu.memory_space<vmem>> -> memref<1x32768xf32, #tpu.memory_space<vmem>>
          %swap3A_881 = tpu.memref_squeeze %swap3A_880 : memref<1x32768xf32, #tpu.memory_space<vmem>> -> memref<32768xf32, #tpu.memory_space<vmem>>
          %swap3A_882 = arith.index_cast %add3A_878 : i32 to index
          %swap3A_883 = tpu.vector_load %swap3A_881[%swap3A_882] {strides = array<i32>} : memref<32768xf32, #tpu.memory_space<vmem>>, vector<16xf32>,
          tpu.vector_store %swap3A_881[%swap3A_882], %get3A_876 {strides = array<i32>} : memref<32768xf32, #tpu.memory_space<vmem>>, vector<16xf32>,
          %add3A_884 = arith.constant 48 : i32
          %add3A_885 = arith.addi %squeeze3A_846, %add3A_884 : i32
          %get3A_886 = arith.index_cast %add3A_885 : i32 to index
          %get3A_887 = tpu.vector_load %arg5[%get3A_886] {strides = array<i32>} : memref<12800xf32, #tpu.memory_space<vmem>>, vector<16xf32>,
          %add3A_888 = arith.constant 48 : i32
          %add3A_889 = arith.addi %mul3A_850, %add3A_888 : i32
          %swap3A_890 = arith.constant 0 : i32
          %swap3A_891 = tpu.memref_slice %arg7[%rem3A_68, %swap3A_890] : memref<3x32768xf32, #tpu.memory_space<vmem>> -> memref<1x32768xf32, #tpu.memory_space<vmem>>
          %swap3A_892 = tpu.memref_squeeze %swap3A_891 : memref<1x32768xf32, #tpu.memory_space<vmem>> -> memref<32768xf32, #tpu.memory_space<vmem>>
          %swap3A_893 = arith.index_cast %add3A_889 : i32 to index
          %swap3A_894 = tpu.vector_load %swap3A_892[%swap3A_893] {strides = array<i32>} : memref<32768xf32, #tpu.memory_space<vmem>>, vector<16xf32>,
          tpu.vector_store %swap3A_892[%swap3A_893], %get3A_887 {strides = array<i32>} : memref<32768xf32, #tpu.memory_space<vmem>>, vector<16xf32>,
        }
        %scan3A_77 = arith.constant 32 : i32
        %add3A_78 = arith.addi %add3A_11, %mul3A_72 : i32
        %mul3A_79 = arith.constant 64 : i32
        %mul3A_80 = arith.muli %add3A_78, %mul3A_79 : i32
        %dma_start3A = arith.constant 0 : i32
        %dma_start3A_81 = tpu.memref_slice %arg7[%rem3A_68, %dma_start3A] : memref<3x32768xf32, #tpu.memory_space<vmem>> -> memref<1x32768xf32, #tpu.memory_space<vmem>>
        %dma_start3A_82 = tpu.memref_squeeze %dma_start3A_81 : memref<1x32768xf32, #tpu.memory_space<vmem>> -> memref<32768xf32, #tpu.memory_space<vmem>>
        %dma_start3A_83 = tpu.memref_slice %arg4[%mul3A_80] : memref<209715200xf32, #tpu.memory_space<hbm>> -> memref<32768xf32, #tpu.memory_space<hbm>>
        %dma_start3A_84 = tpu.memref_slice %arg8[%rem3A_68] : memref<3x!tpu.dma_semaphore, #tpu.memory_space<semaphore_mem>> -> memref<1x!tpu.dma_semaphore, #tpu.memory_space<semaphore_mem>>
        %dma_start3A_85 = tpu.memref_squeeze %dma_start3A_84 : memref<1x!tpu.dma_semaphore, #tpu.memory_space<semaphore_mem>> -> memref<!tpu.dma_semaphore, #tpu.memory_space<semaphore_mem>>
        %dma_start3A_86 = tpu.memref_slice %arg4[%mul3A_80] : memref<209715200xf32, #tpu.memory_space<hbm>> -> memref<32768xf32, #tpu.memory_space<hbm>>
        %dma_start3A_87 = arith.constant 0 : i32
        %dma_start3A_88 = tpu.memref_slice %arg7[%rem3A_68, %dma_start3A_87] : memref<3x32768xf32, #tpu.memory_space<vmem>> -> memref<1x32768xf32, #tpu.memory_space<vmem>>
        %dma_start3A_89 = tpu.memref_squeeze %dma_start3A_88 : memref<1x32768xf32, #tpu.memory_space<vmem>> -> memref<32768xf32, #tpu.memory_space<vmem>>
        tpu.enqueue_dma source(%dma_start3A_89 : memref<32768xf32, #tpu.memory_space<vmem>>) target(%dma_start3A_86 : memref<32768xf32, #tpu.memory_space<hbm>>) target_semaphore(%dma_start3A_85 : memref<!tpu.dma_semaphore, #tpu.memory_space<semaphore_mem>>)
      }
      %scan3A_16 = arith.constant 25 : i32
      %rem3A = arith.constant 22 : i32
      %rem3A_17 = arith.constant 3 : i32
      %rem3A_18 = arith.remsi %rem3A, %rem3A_17 : i32
      %add3A_19 = arith.constant 11264 : i32
      %add3A_20 = arith.addi %add3A_11, %add3A_19 : i32
      %mul3A_21 = arith.constant 64 : i32
      %mul3A_22 = arith.muli %add3A_20, %mul3A_21 : i32
      %dma_wait3A = arith.constant 0 : i32
      %dma_wait3A_23 = tpu.memref_slice %arg7[%rem3A_18, %dma_wait3A] : memref<3x32768xf32, #tpu.memory_space<vmem>> -> memref<1x32768xf32, #tpu.memory_space<vmem>>
      %dma_wait3A_24 = tpu.memref_squeeze %dma_wait3A_23 : memref<1x32768xf32, #tpu.memory_space<vmem>> -> memref<32768xf32, #tpu.memory_space<vmem>>
      %dma_wait3A_25 = tpu.memref_slice %arg4[%mul3A_22] : memref<209715200xf32, #tpu.memory_space<hbm>> -> memref<32768xf32, #tpu.memory_space<hbm>>
      %dma_wait3A_26 = tpu.memref_slice %arg8[%rem3A_18] : memref<3x!tpu.dma_semaphore, #tpu.memory_space<semaphore_mem>> -> memref<1x!tpu.dma_semaphore, #tpu.memory_space<semaphore_mem>>
      %dma_wait3A_27 = tpu.memref_squeeze %dma_wait3A_26 : memref<1x!tpu.dma_semaphore, #tpu.memory_space<semaphore_mem>> -> memref<!tpu.dma_semaphore, #tpu.memory_space<semaphore_mem>>
      %dma_wait3A_28 = tpu.memref_slice %arg4[%mul3A_22] : memref<209715200xf32, #tpu.memory_space<hbm>> -> memref<32768xf32, #tpu.memory_space<hbm>>
      %dma_wait3A_29 = arith.constant 0 : i32
      %dma_wait3A_30 = tpu.memref_slice %arg7[%rem3A_18, %dma_wait3A_29] : memref<3x32768xf32, #tpu.memory_space<vmem>> -> memref<1x32768xf32, #tpu.memory_space<vmem>>
      %dma_wait3A_31 = tpu.memref_squeeze %dma_wait3A_30 : memref<1x32768xf32, #tpu.memory_space<vmem>> -> memref<32768xf32, #tpu.memory_space<vmem>>
      tpu.wait_dma2 semaphore(%dma_wait3A_27 : memref<!tpu.dma_semaphore, #tpu.memory_space<semaphore_mem>>) src(%dma_wait3A_31 : memref<32768xf32, #tpu.memory_space<vmem>>) dst(%dma_wait3A_28 : memref<32768xf32, #tpu.memory_space<hbm>>)
      %rem3A_32 = arith.constant 23 : i32
      %rem3A_33 = arith.constant 3 : i32
      %rem3A_34 = arith.remsi %rem3A_32, %rem3A_33 : i32
      %add3A_35 = arith.constant 11776 : i32
      %add3A_36 = arith.addi %add3A_11, %add3A_35 : i32
      %mul3A_37 = arith.constant 64 : i32
      %mul3A_38 = arith.muli %add3A_36, %mul3A_37 : i32
      %dma_wait3A_39 = arith.constant 0 : i32
      %dma_wait3A_40 = tpu.memref_slice %arg7[%rem3A_34, %dma_wait3A_39] : memref<3x32768xf32, #tpu.memory_space<vmem>> -> memref<1x32768xf32, #tpu.memory_space<vmem>>
      %dma_wait3A_41 = tpu.memref_squeeze %dma_wait3A_40 : memref<1x32768xf32, #tpu.memory_space<vmem>> -> memref<32768xf32, #tpu.memory_space<vmem>>
      %dma_wait3A_42 = tpu.memref_slice %arg4[%mul3A_38] : memref<209715200xf32, #tpu.memory_space<hbm>> -> memref<32768xf32, #tpu.memory_space<hbm>>
      %dma_wait3A_43 = tpu.memref_slice %arg8[%rem3A_34] : memref<3x!tpu.dma_semaphore, #tpu.memory_space<semaphore_mem>> -> memref<1x!tpu.dma_semaphore, #tpu.memory_space<semaphore_mem>>
      %dma_wait3A_44 = tpu.memref_squeeze %dma_wait3A_43 : memref<1x!tpu.dma_semaphore, #tpu.memory_space<semaphore_mem>> -> memref<!tpu.dma_semaphore, #tpu.memory_space<semaphore_mem>>
      %dma_wait3A_45 = tpu.memref_slice %arg4[%mul3A_38] : memref<209715200xf32, #tpu.memory_space<hbm>> -> memref<32768xf32, #tpu.memory_space<hbm>>
      %dma_wait3A_46 = arith.constant 0 : i32
      %dma_wait3A_47 = tpu.memref_slice %arg7[%rem3A_34, %dma_wait3A_46] : memref<3x32768xf32, #tpu.memory_space<vmem>> -> memref<1x32768xf32, #tpu.memory_space<vmem>>
      %dma_wait3A_48 = tpu.memref_squeeze %dma_wait3A_47 : memref<1x32768xf32, #tpu.memory_space<vmem>> -> memref<32768xf32, #tpu.memory_space<vmem>>
      tpu.wait_dma2 semaphore(%dma_wait3A_44 : memref<!tpu.dma_semaphore, #tpu.memory_space<semaphore_mem>>) src(%dma_wait3A_48 : memref<32768xf32, #tpu.memory_space<vmem>>) dst(%dma_wait3A_45 : memref<32768xf32, #tpu.memory_space<hbm>>)
      %rem3A_49 = arith.constant 24 : i32
      %rem3A_50 = arith.constant 3 : i32
      %rem3A_51 = arith.remsi %rem3A_49, %rem3A_50 : i32
      %add3A_52 = arith.constant 12288 : i32
      %add3A_53 = arith.addi %add3A_11, %add3A_52 : i32
      %mul3A_54 = arith.constant 64 : i32
      %mul3A_55 = arith.muli %add3A_53, %mul3A_54 : i32
      %dma_wait3A_56 = arith.constant 0 : i32
      %dma_wait3A_57 = tpu.memref_slice %arg7[%rem3A_51, %dma_wait3A_56] : memref<3x32768xf32, #tpu.memory_space<vmem>> -> memref<1x32768xf32, #tpu.memory_space<vmem>>
      %dma_wait3A_58 = tpu.memref_squeeze %dma_wait3A_57 : memref<1x32768xf32, #tpu.memory_space<vmem>> -> memref<32768xf32, #tpu.memory_space<vmem>>
      %dma_wait3A_59 = tpu.memref_slice %arg4[%mul3A_55] : memref<209715200xf32, #tpu.memory_space<hbm>> -> memref<32768xf32, #tpu.memory_space<hbm>>
      %dma_wait3A_60 = tpu.memref_slice %arg8[%rem3A_51] : memref<3x!tpu.dma_semaphore, #tpu.memory_space<semaphore_mem>> -> memref<1x!tpu.dma_semaphore, #tpu.memory_space<semaphore_mem>>
      %dma_wait3A_61 = tpu.memref_squeeze %dma_wait3A_60 : memref<1x!tpu.dma_semaphore, #tpu.memory_space<semaphore_mem>> -> memref<!tpu.dma_semaphore, #tpu.memory_space<semaphore_mem>>
      %dma_wait3A_62 = tpu.memref_slice %arg4[%mul3A_55] : memref<209715200xf32, #tpu.memory_space<hbm>> -> memref<32768xf32, #tpu.memory_space<hbm>>
      %dma_wait3A_63 = arith.constant 0 : i32
      %dma_wait3A_64 = tpu.memref_slice %arg7[%rem3A_51, %dma_wait3A_63] : memref<3x32768xf32, #tpu.memory_space<vmem>> -> memref<1x32768xf32, #tpu.memory_space<vmem>>
      %dma_wait3A_65 = tpu.memref_squeeze %dma_wait3A_64 : memref<1x32768xf32, #tpu.memory_space<vmem>> -> memref<32768xf32, #tpu.memory_space<vmem>>
      tpu.wait_dma2 semaphore(%dma_wait3A_61 : memref<!tpu.dma_semaphore, #tpu.memory_space<semaphore_mem>>) src(%dma_wait3A_65 : memref<32768xf32, #tpu.memory_space<vmem>>) dst(%dma_wait3A_62 : memref<32768xf32, #tpu.memory_space<hbm>>)
    }
    %scan3A_7 = arith.constant 8 : i32
    return
  }
}

</mosaic_0001>

<sc_bundles>
// kernel: _lookup.3.cloned.1.call-start
scs
__scs_entry_jumppad:
0x0: {  	(pc) =	sbr.rel $0x88, $3  }
0x1: {  	(tag) =	ssettag $0x0;
	lr =	simm.s32 $0x1  }
0x2: {  	[smem:$0x3F9F] =	sst lr;
	_ =	strace $0xD0000000  }
0x3: {  	_ = 	snop  }
0x4: {  	_ = 	snop  }
0x5: {  	_ = 	snop  }
0x6: {  	_ = 	snop  }
0x7: {  	_ = 	snop  }
__scs_overlays_trampoline_lowered:
0x8: {  	[smem:$0x3FAE] =	sst s0  }
0x9: {  	[smem:$0x3FAF] =	sst s1  }
0xa: {  	[smem:$0x3FB0] =	sst s2  }
0xb: {  	[smem:$0x3FB1] =	sst s3  }
0xc: {  	[smem:$0x3FB2] =	sst s4  }
0xd: {  	[smem:$0x3FB3] =	sst s5  }
0xe: {  	[smem:$0x3FB4] =	sst s6  }
0xf: {  	[smem:$0x3FB5] =	sst s7  }
0x10: {  	[smem:$0x3FB6] =	sst s8  }
0x11: {  	[smem:$0x3FB7] =	sst s9;
	s0 =	simm.s32 @!p0 $0x0  }
0x12: {  	s1 =	sld [smem:$0x3F9D];
	s0 =	simm.s32 @p0 $0x1  }
0x13: {  	[smem:$0x3FB8] =	sst s0;
	s0 =	simm.s32 @!p1 $0x0  }
0x14: {  	s2 =	sld [smem:$0x3F9C];
	s0 =	simm.s32 @p1 $0x1  }
0x15: {  	[smem:$0x3FB9] =	sst s0;
	s0 =	simm.s32 @!p2 $0x0  }
0x16: {  	s3 =	sld [smem:$0x3FDB];
	s0 =	simm.s32 @p2 $0x1  }
0x17: {  	s4 =	simm.s32 $0x1BF5;
	[smem:$0x3FBB] =	sst s0  }
0x18: {  	s0 =	sld [smem:$0x3F9E];
	_ =	swait.ge [sflag:s4], $0x0  }
0x19: {  	s7 =	sld [smem:$0x3F9F]  }
0x1a: {  	s8 =	sadd.s32 $0xFFFFE003, lr  }
0x1b: {  	s9 =	sadd.s32 $0xFFFFFEF7, lr;
	s5 =	simm.s32 $0xFFFFFFFF;
	p2 =	slt.u32 s8, $0xFFFFF086  }
0x1c: {  	p1 =	slt.u32 s9, $0xF7A;
	s5 =	simm.s32 @!p2 $0x0  }
0x1d: {  	s5 =	simm.s32 @p1 $0x1;
	p0 =	seq.s32 s7, s2  }
0x1e: {  	s7 =	smul.u32 @!p0 $0xF7A, s2;
	p2 =	seq.s32 @!p0 s5, $0x0  }
0x1f: {  	s9 =	smul.u32 $0xF7A, s1;
	s8 =	simm.s32 @!p0 $0x1BF5;
	p2 =	por !p2, p0  }
0x20: {  	[sflag:s8] =	ssyncset.s32 @!p0 $0xFFFFF086;
	s6 =	sadd.s32 @!p0 s3, s7;
	s7 =	simm.s32 @!p0 $0x108  }
0x21: {  	s3 =	sadd.s32 s3, s9;
	s6 =	sadd.s32 @!p0 $0x88, s6;
	s7 =	simm.s32 @p2 $0x1082  }
0x22: {  	[simem:s7], [sflag:s8] =	dma.local @!p0 [hbm:s6], $0xF7A  }
0x23: {  	s9 =	sor.u32 $0xD0000000, s2;
	s6 =	simm.s32 $0x108;
	_ =	swait.ge @!p0 [sflag:s8], $0x0  }
0x24: {  	s3 =	sadd.s32 $0x88, s3;
	s6 =	simm.s32 @!p1 $0x1082;
	[sflag:s4] =	ssyncset.s32 $0xFFFFF086  }
0x25: {  	[simem:s6], [sflag:s4] =	dma.local [hbm:s3], $0xF7A  }
0x26: {  	[smem:$0x3F9F] =	sst s1;
	(tag) =	ssettag s2;
	_ =	strace s9  }
0x27: {  	s1 =	sld [smem:$0x3FAF]  }
0x28: {  	s2 =	sld [smem:$0x3FB0]  }
0x29: {  	s4 =	sld [smem:$0x3FB2]  }
0x2a: {  	p0 =	seq.s32 s5, $0x0;
	s5 =	sld [smem:$0x3FB3]  }
0x2b: {  	s6 =	sld [smem:$0x3FB4]  }
0x2c: {  	s7 =	sld [smem:$0x3FB5]  }
0x2d: {  	s3 =	simm.s32 $0x108;
	s8 =	sld [smem:$0x3FB6]  }
0x2e: {  	s3 =	simm.s32 @!p0 $0x1082;
	s9 =	sld [smem:$0x3FB7]  }
0x2f: {  	lr =	sadd.s32 s0, s3;
	s0 =	sld [smem:$0x3FAE]  }
0x30: {  	s3 =	sld [smem:$0x3FB1]  }
0x31: {  	[smem:$0x3FBA] =	sst s10  }
0x32: {  	s10 =	sld [smem:$0x3FB8];
	_ =	sdelay $0x3  }
0x33: {  	p0 =	seq.s32 s10, $0x1;
	s10 =	sld [smem:$0x3FBA];
	_ =	sdelay $0x3  }
0x34: {  	[smem:$0x3FBA] =	sst s10  }
0x35: {  	s10 =	sld [smem:$0x3FB9];
	_ =	sdelay $0x3  }
0x36: {  	p1 =	seq.s32 s10, $0x1;
	s10 =	sld [smem:$0x3FBA];
	_ =	sdelay $0x3  }
0x37: {  	[smem:$0x3FBA] =	sst s10  }
0x38: {  	s10 =	sld [smem:$0x3FBB]  }
0x39: {  	_ = 	snop;
	(pc) =	sbr.ind lr, $3  }
0x3a: {  	_ = 	snop  }
0x3b: {  	_ = 	snop  }
0x3c: {  	p2 =	seq.s32 s10, $0x1;
	s10 =	sld [smem:$0x3FBA]  }
0x3d: {  	_ =	shalt  }
0x3e: {  	_ =	shalt  }
0x3f: {  	_ =	shalt  }
0x40: {  	_ =	shalt  }
0x41: {  	_ =	shalt  }
0x42: {  	_ =	shalt  }
0x43: {  	_ =	shalt  }
0x44: {  	_ =	shalt  }
0x45: {  	_ =	shalt  }
0x46: {  	_ =	shalt  }
0x47: {  	_ =	shalt  }
0x48: {  	_ =	shalt  }
0x49: {  	_ =	shalt  }
0x4a: {  	_ =	shalt  }
0x4b: {  	_ =	shalt  }
0x4c: {  	_ =	shalt  }
0x4d: {  	_ =	shalt  }
0x4e: {  	_ =	shalt  }
0x4f: {  	_ =	shalt  }
0x50: {  	_ =	shalt  }
0x51: {  	_ =	shalt  }
0x52: {  	_ =	shalt  }
0x53: {  	_ =	shalt  }
0x54: {  	_ =	shalt  }
0x55: {  	_ =	shalt  }
0x56: {  	_ =	shalt  }
0x57: {  	_ =	shalt  }
0x58: {  	_ =	shalt  }
0x59: {  	_ =	shalt  }
0x5a: {  	_ =	shalt  }
0x5b: {  	_ =	shalt  }
0x5c: {  	_ =	shalt  }
0x5d: {  	_ =	shalt  }
0x5e: {  	_ =	shalt  }
0x5f: {  	_ =	shalt  }
0x60: {  	_ =	shalt  }
0x61: {  	_ =	shalt  }
0x62: {  	_ =	shalt  }
0x63: {  	_ =	shalt  }
0x64: {  	_ =	shalt  }
0x65: {  	_ =	shalt  }
0x66: {  	_ =	shalt  }
0x67: {  	_ =	shalt  }
0x68: {  	_ =	shalt  }
0x69: {  	_ =	shalt  }
0x6a: {  	_ =	shalt  }
0x6b: {  	_ =	shalt  }
0x6c: {  	_ =	shalt  }
0x6d: {  	_ =	shalt  }
0x6e: {  	_ =	shalt  }
0x6f: {  	_ =	shalt  }
0x70: {  	_ =	shalt  }
0x71: {  	_ =	shalt  }
0x72: {  	_ =	shalt  }
0x73: {  	_ =	shalt  }
0x74: {  	_ =	shalt  }
0x75: {  	_ =	shalt  }
0x76: {  	_ =	shalt  }
0x77: {  	_ =	shalt  }
0x78: {  	_ =	shalt  }
0x79: {  	_ =	shalt  }
0x7a: {  	_ =	shalt  }
0x7b: {  	_ =	shalt  }
0x7c: {  	_ =	shalt  }
0x7d: {  	_ =	shalt  }
0x7e: {  	_ =	shalt  }
0x7f: {  	_ =	shalt  }
0x80: {  	_ =	shalt  }
0x81: {  	_ =	shalt  }
0x82: {  	_ =	shalt  }
0x83: {  	_ =	shalt  }
0x84: {  	_ =	shalt  }
0x85: {  	_ =	shalt  }
0x86: {  	_ =	shalt  }
0x87: {  	_ =	shalt  }
.Lfunc_end0:
.L_simem_size_0:
called_computation_lowered:
.L_overlay_start_0:
0x88: {  	s2 =	sld [smem:$0x3FD9]  }
0x89: {  	s3 =	sld [smem:$0x3FFE];
	_ =	sdelay $0x1  }
0x8a: {  	s1 =	srdreg.scid  }
0x8b: {  	s0 =	sand.u32 $0x1, s1  }
0x8c: {  	s18 =	sshll.u32 s0, $0xA;
	s2 =	sadd.s32 s3, s2  }
0x8d: {  	s2 =	sadd.s32 s2, s18  }
0x8e: {  	[smem:$0x3FC6] =	sst s2  }
0x8f: {  	_ = 	snop  }
0x90: {  	s2 =	sld [smem:$0x3FC9]  }
0x91: {  	s19 =	sld [smem:$0x3FC8]  }
0x92: {  	s4 =	sld [smem:$0x3FD0];
	(tm) =	ssettm $0x1  }
0x93: {  	s5 =	sld [smem:$0x3FFB];
	_ =	sdelay $0x3  }
0x94: {  	_ =	strace s5  }
0x95: {  	s5 =	sld [smem:$0x3FFC];
	_ =	sdelay $0x3  }
0x96: {  	_ =	strace s5  }
0x97: {  	s5 =	sld [smem:$0x3FFD];
	_ =	sdelay $0x3  }
0x98: {  	_ =	strace s5  }
0x99: {  	_ =	strace $0x8FFFFFFF  }
0x9a: {  	s20 =	sld [smem:$0x3FDB];
	_ =	sdelay $0x1  }
0x9b: {  	s6 =	simm.s32 $_scs_section_size  }
0x9c: {  	s7 =	simm.s32 $_size__tile_overlayer_lowered;
	s8 =	simm.s32 $_tile_overlayer_lowered  }
0x9d: {  	s23 =	simm.s32 $0x1BFF;
	s22 =	sshll.u32 s8, $0x1;
	s5 =	sadd.s32 s6, s20  }
0x9e: {  	s9 =	simm.s32 $0x0;
	s21 =	sshll.u32 s7, $0x1;
	s7 =	sadd.s32 s22, s5  }
0x9f: {  	[timem:s9], [sflag:s23] =	dma.local [hbm:s7], s21  }
0xa0: {  	_ =	swait.ge [sflag:s23], s21  }
0xa1: {  	s6 =	ssub.s32 $0x0, s21;
	[sflag:s23] =	ssyncset.done $0x0  }
0xa2: {  	[sflag:s23] =	ssyncadd.s32 s6;
	_ =	sdelay $0x1  }
0xa3: {  	s24 =	simm.s32 $0x1B8B  }
0xa4: {  	_ =	swait.ge [sflag:s24], $0x1  }
0xa5: {  	[sflag:s24] =	ssyncset.done $0x0  }
0xa6: {  	s25 =	simm.s32 $0x1B8E;
	[sflag:s24] =	ssyncadd.s32 $0xFFFFFFFF  }
0xa7: {  	s26 =	simm.s32 $execute0_lowered;
	[smem:$0x3FD2] =	sst s25  }
0xa8: {  	s6 =	sshll.u32 s26, $0x1;
	_ =	strace $0x80000046;
	[dreg:$0x1] =	wrdreg $0xFFFFFFFF  }
0xa9: {  	s28 =	simm.s32 $_size_execute0_lowered;
	s5 =	sadd.s32 s5, s6;
	[dreg:$0x0] =	wrdreg $0x0  }
0xaa: {  	s6 =	sshll.u32 s28, $0x1;
	[dreg:$0x2] =	wrdreg s5  }
0xab: {  	[dreg:$0x3] =	wrdreg s6  }
0xac: {  	[dreg:$0x4] =	wrdreg $0xC0  }
0xad: {  	_ =	task [dreg:s9], $0x5FFFF  }
0xae: {  	[dreg:$0x1] =	wrdreg $0xFFFFFFFF  }
0xaf: {  	[dreg:$0x0] =	wrdreg $0x60  }
0xb0: {  	[dreg:$0x2] =	wrdreg s2  }
0xb1: {  	[dreg:$0x3] =	wrdreg s19  }
0xb2: {  	[dreg:$0x4] =	wrdreg s4  }
0xb3: {  	[dreg:$0x5] =	wrdreg $0x9  }
0xb4: {  	_ =	task.clear_ibuf [dreg:s9], $0x6FFFF;
	_ =	strace $0x90000046  }
0xb5: {  	s29 =	simm.s32 $0x9;
	_ =	strace $0x80000048  }
0xb6: {  	_ =	swait.ge [sflag:s29], $0x1  }
0xb7: {  	[sflag:s29] =	ssyncadd.s32 $0xFFFFFFFF  }
0xb8: {  	_ =	strace $0x90000048  }
0xb9: {  	_ =	sfence  }
0xba: {  	s30 =	sld [smem:$0x0];
	_ =	sdelay $0x2  }
0xbb: {  	s31 =	sshll.u32 s1, $0xD;
	s1 =	sshrl.u32 s1, $0x2  }
0xbc: {  	s3 =	sand.u32 $0x4000, s31;
	s1 =	sadd.s32 s1, s30  }
0xbd: {  	s0 =	sor.u32 s3, s0;
	s1 =	sshll.u32 s1, $0x11  }
0xbe: {  	s0 =	sor.u32 s1, s0  }
0xbf: {  	s0 =	sadd.s32 $0x8F2B, s0  }
0xc0: {  	[sflag:s0] =	ssyncadd.remote.s32 $0x1  }
0xc1: {  	_ =	sfence.sel $0xFFFF  }
0xc2: {  	[dreg:$0x0] =	wrdreg $0xFFFFFFFF;
	(pc) =	sbr.abs _section_cstart, $3  }
0xc3: {  	[dreg:$0x1] =	wrdreg $0xFFFFFFFF  }
0xc4: {  	_ =	task.clear_ibuf [dreg:s9], $0x2FFFF;
	_ =	strace $0x9FFFFFFF  }
0xc5: {  	(tm) =	ssettm $0x7FFFFFFF  }
tec
execute0_lowered:
.L_overlay_start_1:
0x0: {  	(tag) =	ssettag $0x1  }
0x1: {  	s1 =	rddreg [dreg:$0x0]  }
0x2: {  	s3 =	rddreg [dreg:$0x1]  }
0x3: {  	s4 =	rddreg [dreg:$0x2];
	s5 =	srdreg.scid  }
0x4: {  	s0 =	rddreg [dreg:$0x3];
	s2 =	stileid.u32;
	s10 =	simm.s32 $0x3  }
0x5: {  	s11 =	simm.s32 $0x1;
	s12 =	simm.s32 $0x0;
	s6 =	sand.u32 $0x1, s5  }
0x6: {  	s5 =	simm.s32 $0x0;
	s8 =	sshll.u32 s2, $0x1;
	s7 =	ssub.s32 $0x2, s6  }
0x7: {  	[smem:$0x7FF] =	sst s5;
	s6 =	sor.u32 s6, s8;
	s9 =	sshrl.u32 s7, $0x1  }
0x8: {  	s8 =	simm.s32 $0x4;
	_ =	strace $0x80000047;
	s7 =	ssub.s32 s7, s9  }
0x9: {  	s6 =	smul.u32 $0x19000, s6;
	s9 =	simm.s32 $0x2;
	s7 =	smax.u32 s7, $0x1  }
.LBB2_1:
0xa: {  	[tilespmem:s5], [sflag:$0x4] =	stream.linear.gather [hbm4b:s3+s5], $0x3200, $0x38;
	[tilespmem:$0x1E400] =	vst v63  }
0xb: {  	_ =	swait.ge [sflag:s8], $0x3200  }
0xc: {  	[sflag:s8] =	ssyncset.done $0x0  }
0xd: {  	s13 =	simm.s32 $0x0;
	[sflag:s8] =	ssyncadd.s32 $0xFFFFCE00  }
.LBB2_2:
0xe: {  	s14 =	smul.u32 $0x3200, s13;
	_ =	sdelay $0x1  }
0xf: {  	s14 =	sadd.s32 s6, s14  }
0x10: {  	s15 =	sshrl.u32 s14, $0x3  }
0x11: {  	s16 =	simm.s32 $0x3200;
	s17 =	sadd.s32 s1, s15;
	s15 =	simm.s32 $0x0  }
0x12: {  	[tilespmem:s16], [sflag:$0x4] =	stream.linear.gather [hbm4b:s17+s15], $0x3200, $0x38;
	[tilespmem:$0x1E400] =	vst v63  }
0x13: {  	_ =	swait.ge [sflag:s8], $0x3200  }
0x14: {  	[sflag:s8] =	ssyncset.done $0x0  }
0x15: {  	s17 =	simm.s32 $0x6400;
	[sflag:s8] =	ssyncadd.s32 $0xFFFFCE00  }
.LBB2_3:
0x16: {  	s18 =	smul.u32 $0xAB, s15;
	_ =	sdelay $0x1  }
0x17: {  	s18 =	sshrl.u32 s18, $0x9  }
0x18: {  	s19 =	smulhi.u32 $0xAAAAAAAB, s15;
	s18 =	sand.u32 $0x7F, s18  }
0x19: {  	s18 =	smul.u32 $0x3, s18  }
0x1a: {  	s19 =	sshrl.u32 s19, $0x1  }
0x1b: {  	s19 =	smul.u32 $0xFFFA0000, s19;
	s18 =	ssub.s32 s15, s18  }
0x1c: {  	p0 =	slt.u32 s15, $0x3;
	s18 =	sand.u32 $0xFF, s18  }
0x1d: {  	s19 =	sshra.s32 s19, $0x2;
	s20 =	sadd.s32 @!p0 $0x1, s18  }
0x1e: {  	s22 =	simm.s32 $0x0;
	s21 =	sadd.s32 s19, s17;
	_ =	swait.ge @!p0 [sflag:s20], $0x8000  }
0x1f: {  	v0 =	vmov s21;
	s21 =	smov.u32 s16;
	s31 =	sshll.u32 s18, $0xF;
	[sflag:s20] =	ssyncset.done @!p0 $0x0  }
0x20: {  	s19 =	sor.u32 $0x6400, s31;
	[sflag:s20] =	ssyncadd.s32 @!p0 $0xFFFF8000;
	s20 =	sshll.u32 s15, $0x9  }
.LBB2_4:
0x21: {  	v1 =	vld [tilespmem:s21+$0x0];
	_ =	sdelay $0x4  }
0x22: {  	v1 =	vshll.u32 v1, $0x6  }
0x23: {  	(v2sf) =	vpush v1, $0x0;
	_ =	sdelay $0xe  }
0x24: {  	s24 =	spop (v2sf)  }
0x25: {  	v2 =	vld [tilespmem:s24+$0x0];
	_ =	sdelay $0x3  }
0x26: {  	s23 =	sshra.s32 s22, $0x2  }
0x27: {  	[tilespmem:v0+s23+$0x0 ss:$0x1] =	vst.idx.msk $0xffff, v2  }
0x28: {  	v2 =	vld [tilespmem:s24+$0x10];
	_ =	sdelay $0x1  }
0x29: {  	(v2sf) =	vpush v1, $0x1;
	_ =	sdelay $0x2  }
0x2a: {  	[tilespmem:v0+s23+$0x10 ss:$0x1] =	vst.idx.msk $0xffff, v2  }
0x2b: {  	v2 =	vld [tilespmem:s24+$0x20];
	_ =	sdelay $0x4  }
0x2c: {  	[tilespmem:v0+s23+$0x20 ss:$0x1] =	vst.idx.msk $0xffff, v2  }
0x2d: {  	v2 =	vld [tilespmem:s24+$0x30];
	_ =	sdelay $0x4  }
0x2e: {  	s29 =	spop (v2sf);
	[tilespmem:v0+s23+$0x30 ss:$0x1] =	vst.idx.msk $0xffff, v2  }
0x2f: {  	v2 =	vld [tilespmem:s29+$0x0];
	_ =	sdelay $0x4  }
0x30: {  	[tilespmem:v0+s23+$0x40 ss:$0x1] =	vst.idx.msk $0xffff, v2  }
0x31: {  	v2 =	vld [tilespmem:s29+$0x10];
	_ =	sdelay $0x1  }
0x32: {  	(v2sf) =	vpush v1, $0x2;
	_ =	sdelay $0x2  }
0x33: {  	[tilespmem:v0+s23+$0x50 ss:$0x1] =	vst.idx.msk $0xffff, v2  }
0x34: {  	v2 =	vld [tilespmem:s29+$0x20];
	_ =	sdelay $0x4  }
0x35: {  	[tilespmem:v0+s23+$0x60 ss:$0x1] =	vst.idx.msk $0xffff, v2  }
0x36: {  	v2 =	vld [tilespmem:s29+$0x30];
	_ =	sdelay $0x4  }
0x37: {  	s30 =	spop (v2sf);
	[tilespmem:v0+s23+$0x70 ss:$0x1] =	vst.idx.msk $0xffff, v2  }
0x38: {  	v2 =	vld [tilespmem:s30+$0x0];
	_ =	sdelay $0x4  }
0x39: {  	[tilespmem:v0+s23+$0x80 ss:$0x1] =	vst.idx.msk $0xffff, v2  }
0x3a: {  	v2 =	vld [tilespmem:s30+$0x10];
	_ =	sdelay $0x1  }
0x3b: {  	(v2sf) =	vpush v1, $0x3;
	_ =	sdelay $0x2  }
0x3c: {  	[tilespmem:v0+s23+$0x90 ss:$0x1] =	vst.idx.msk $0xffff, v2  }
0x3d: {  	v2 =	vld [tilespmem:s30+$0x20];
	_ =	sdelay $0x4  }
0x3e: {  	[tilespmem:v0+s23+$0xA0 ss:$0x1] =	vst.idx.msk $0xffff, v2  }
0x3f: {  	v2 =	vld [tilespmem:s30+$0x30];
	_ =	sdelay $0x4  }
0x40: {  	s31 =	spop (v2sf);
	[tilespmem:v0+s23+$0xB0 ss:$0x1] =	vst.idx.msk $0xffff, v2  }
0x41: {  	v2 =	vld [tilespmem:s31+$0x0];
	_ =	sdelay $0x4  }
0x42: {  	[tilespmem:v0+s23+$0xC0 ss:$0x1] =	vst.idx.msk $0xffff, v2  }
0x43: {  	v2 =	vld [tilespmem:s31+$0x10];
	_ =	sdelay $0x1  }
0x44: {  	(v2sf) =	vpush v1, $0x4;
	_ =	sdelay $0x2  }
0x45: {  	[tilespmem:v0+s23+$0xD0 ss:$0x1] =	vst.idx.msk $0xffff, v2  }
0x46: {  	v2 =	vld [tilespmem:s31+$0x20];
	_ =	sdelay $0x4  }
0x47: {  	[tilespmem:v0+s23+$0xE0 ss:$0x1] =	vst.idx.msk $0xffff, v2  }
0x48: {  	v2 =	vld [tilespmem:s31+$0x30];
	_ =	sdelay $0x4  }
0x49: {  	s25 =	spop (v2sf);
	[tilespmem:v0+s23+$0xF0 ss:$0x1] =	vst.idx.msk $0xffff, v2  }
0x4a: {  	v2 =	vld [tilespmem:s25+$0x0];
	_ =	sdelay $0x4  }
0x4b: {  	[tilespmem:v0+s23+$0x100 ss:$0x1] =	vst.idx.msk $0xffff, v2  }
0x4c: {  	v2 =	vld [tilespmem:s25+$0x10];
	_ =	sdelay $0x1  }
0x4d: {  	(v2sf) =	vpush v1, $0x5;
	_ =	sdelay $0x2  }
0x4e: {  	[tilespmem:v0+s23+$0x110 ss:$0x1] =	vst.idx.msk $0xffff, v2  }
0x4f: {  	v2 =	vld [tilespmem:s25+$0x20];
	_ =	sdelay $0x4  }
0x50: {  	[tilespmem:v0+s23+$0x120 ss:$0x1] =	vst.idx.msk $0xffff, v2  }
0x51: {  	v2 =	vld [tilespmem:s25+$0x30];
	_ =	sdelay $0x4  }
0x52: {  	s26 =	spop (v2sf);
	[tilespmem:v0+s23+$0x130 ss:$0x1] =	vst.idx.msk $0xffff, v2  }
0x53: {  	v2 =	vld [tilespmem:s26+$0x0];
	_ =	sdelay $0x4  }
0x54: {  	[tilespmem:v0+s23+$0x140 ss:$0x1] =	vst.idx.msk $0xffff, v2  }
0x55: {  	v2 =	vld [tilespmem:s26+$0x10];
	_ =	sdelay $0x1  }
0x56: {  	(v2sf) =	vpush v1, $0x6;
	_ =	sdelay $0x2  }
0x57: {  	[tilespmem:v0+s23+$0x150 ss:$0x1] =	vst.idx.msk $0xffff, v2  }
0x58: {  	v2 =	vld [tilespmem:s26+$0x20];
	_ =	sdelay $0x4  }
0x59: {  	[tilespmem:v0+s23+$0x160 ss:$0x1] =	vst.idx.msk $0xffff, v2  }
0x5a: {  	v2 =	vld [tilespmem:s26+$0x30];
	_ =	sdelay $0x4  }
0x5b: {  	s28 =	spop (v2sf);
	[tilespmem:v0+s23+$0x170 ss:$0x1] =	vst.idx.msk $0xffff, v2  }
0x5c: {  	v2 =	vld [tilespmem:s28+$0x0];
	_ =	sdelay $0x4  }
0x5d: {  	[tilespmem:v0+s23+$0x180 ss:$0x1] =	vst.idx.msk $0xffff, v2  }
0x5e: {  	v2 =	vld [tilespmem:s28+$0x10];
	_ =	sdelay $0x1  }
0x5f: {  	(v2sf) =	vpush v1, $0x7;
	_ =	sdelay $0x2  }
0x60: {  	[tilespmem:v0+s23+$0x190 ss:$0x1] =	vst.idx.msk $0xffff, v2  }
0x61: {  	v2 =	vld [tilespmem:s28+$0x20];
	_ =	sdelay $0x4  }
0x62: {  	[tilespmem:v0+s23+$0x1A0 ss:$0x1] =	vst.idx.msk $0xffff, v2  }
0x63: {  	v2 =	vld [tilespmem:s28+$0x30];
	_ =	sdelay $0x4  }
0x64: {  	s29 =	spop (v2sf);
	[tilespmem:v0+s23+$0x1B0 ss:$0x1] =	vst.idx.msk $0xffff, v2  }
0x65: {  	v2 =	vld [tilespmem:s29+$0x0];
	_ =	sdelay $0x4  }
0x66: {  	[tilespmem:v0+s23+$0x1C0 ss:$0x1] =	vst.idx.msk $0xffff, v2  }
0x67: {  	v2 =	vld [tilespmem:s29+$0x10];
	_ =	sdelay $0x1  }
0x68: {  	(v2sf) =	vpush v1, $0x8;
	_ =	sdelay $0x2  }
0x69: {  	[tilespmem:v0+s23+$0x1D0 ss:$0x1] =	vst.idx.msk $0xffff, v2  }
0x6a: {  	v2 =	vld [tilespmem:s29+$0x20];
	_ =	sdelay $0x4  }
0x6b: {  	[tilespmem:v0+s23+$0x1E0 ss:$0x1] =	vst.idx.msk $0xffff, v2  }
0x6c: {  	v2 =	vld [tilespmem:s29+$0x30];
	_ =	sdelay $0x4  }
0x6d: {  	s30 =	spop (v2sf);
	[tilespmem:v0+s23+$0x1F0 ss:$0x1] =	vst.idx.msk $0xffff, v2  }
0x6e: {  	v2 =	vld [tilespmem:s30+$0x0];
	_ =	sdelay $0x4  }
0x6f: {  	[tilespmem:v0+s23+$0x200 ss:$0x1] =	vst.idx.msk $0xffff, v2  }
0x70: {  	v2 =	vld [tilespmem:s30+$0x10];
	_ =	sdelay $0x1  }
0x71: {  	(v2sf) =	vpush v1, $0x9;
	_ =	sdelay $0x2  }
0x72: {  	[tilespmem:v0+s23+$0x210 ss:$0x1] =	vst.idx.msk $0xffff, v2  }
0x73: {  	v2 =	vld [tilespmem:s30+$0x20];
	_ =	sdelay $0x4  }
0x74: {  	[tilespmem:v0+s23+$0x220 ss:$0x1] =	vst.idx.msk $0xffff, v2  }
0x75: {  	v2 =	vld [tilespmem:s30+$0x30];
	_ =	sdelay $0x4  }
0x76: {  	s31 =	spop (v2sf);
	[tilespmem:v0+s23+$0x230 ss:$0x1] =	vst.idx.msk $0xffff, v2  }
0x77: {  	v2 =	vld [tilespmem:s31+$0x0];
	_ =	sdelay $0x4  }
0x78: {  	[tilespmem:v0+s23+$0x240 ss:$0x1] =	vst.idx.msk $0xffff, v2  }
0x79: {  	v2 =	vld [tilespmem:s31+$0x10];
	_ =	sdelay $0x1  }
0x7a: {  	(v2sf) =	vpush v1, $0xA;
	_ =	sdelay $0x2  }
0x7b: {  	[tilespmem:v0+s23+$0x250 ss:$0x1] =	vst.idx.msk $0xffff, v2  }
0x7c: {  	v2 =	vld [tilespmem:s31+$0x20];
	_ =	sdelay $0x4  }
0x7d: {  	[tilespmem:v0+s23+$0x260 ss:$0x1] =	vst.idx.msk $0xffff, v2  }
0x7e: {  	v2 =	vld [tilespmem:s31+$0x30];
	_ =	sdelay $0x4  }
0x7f: {  	s25 =	spop (v2sf);
	[tilespmem:v0+s23+$0x270 ss:$0x1] =	vst.idx.msk $0xffff, v2  }
0x80: {  	v2 =	vld [tilespmem:s25+$0x0];
	_ =	sdelay $0x4  }
0x81: {  	[tilespmem:v0+s23+$0x280 ss:$0x1] =	vst.idx.msk $0xffff, v2  }
0x82: {  	v2 =	vld [tilespmem:s25+$0x10];
	_ =	sdelay $0x1  }
0x83: {  	(v2sf) =	vpush v1, $0xB;
	_ =	sdelay $0x2  }
0x84: {  	[tilespmem:v0+s23+$0x290 ss:$0x1] =	vst.idx.msk $0xffff, v2  }
0x85: {  	v2 =	vld [tilespmem:s25+$0x20];
	_ =	sdelay $0x4  }
0x86: {  	[tilespmem:v0+s23+$0x2A0 ss:$0x1] =	vst.idx.msk $0xffff, v2  }
0x87: {  	v2 =	vld [tilespmem:s25+$0x30];
	_ =	sdelay $0x4  }
0x88: {  	s26 =	spop (v2sf);
	[tilespmem:v0+s23+$0x2B0 ss:$0x1] =	vst.idx.msk $0xffff, v2  }
0x89: {  	v2 =	vld [tilespmem:s26+$0x0];
	_ =	sdelay $0x4  }
0x8a: {  	[tilespmem:v0+s23+$0x2C0 ss:$0x1] =	vst.idx.msk $0xffff, v2  }
0x8b: {  	v2 =	vld [tilespmem:s26+$0x10];
	_ =	sdelay $0x1  }
0x8c: {  	(v2sf) =	vpush v1, $0xC;
	_ =	sdelay $0x2  }
0x8d: {  	[tilespmem:v0+s23+$0x2D0 ss:$0x1] =	vst.idx.msk $0xffff, v2  }
0x8e: {  	v2 =	vld [tilespmem:s26+$0x20];
	_ =	sdelay $0x4  }
0x8f: {  	[tilespmem:v0+s23+$0x2E0 ss:$0x1] =	vst.idx.msk $0xffff, v2  }
0x90: {  	v2 =	vld [tilespmem:s26+$0x30];
	_ =	sdelay $0x4  }
0x91: {  	s28 =	spop (v2sf);
	[tilespmem:v0+s23+$0x2F0 ss:$0x1] =	vst.idx.msk $0xffff, v2  }
0x92: {  	v2 =	vld [tilespmem:s28+$0x0];
	_ =	sdelay $0x4  }
0x93: {  	[tilespmem:v0+s23+$0x300 ss:$0x1] =	vst.idx.msk $0xffff, v2  }
0x94: {  	v2 =	vld [tilespmem:s28+$0x10];
	_ =	sdelay $0x1  }
0x95: {  	(v2sf) =	vpush v1, $0xD;
	_ =	sdelay $0x2  }
0x96: {  	[tilespmem:v0+s23+$0x310 ss:$0x1] =	vst.idx.msk $0xffff, v2  }
0x97: {  	v2 =	vld [tilespmem:s28+$0x20];
	_ =	sdelay $0x4  }
0x98: {  	[tilespmem:v0+s23+$0x320 ss:$0x1] =	vst.idx.msk $0xffff, v2  }
0x99: {  	v2 =	vld [tilespmem:s28+$0x30];
	_ =	sdelay $0x4  }
0x9a: {  	s29 =	spop (v2sf);
	[tilespmem:v0+s23+$0x330 ss:$0x1] =	vst.idx.msk $0xffff, v2  }
0x9b: {  	v2 =	vld [tilespmem:s29+$0x0];
	_ =	sdelay $0x4  }
0x9c: {  	[tilespmem:v0+s23+$0x340 ss:$0x1] =	vst.idx.msk $0xffff, v2  }
0x9d: {  	v2 =	vld [tilespmem:s29+$0x10];
	_ =	sdelay $0x1  }
0x9e: {  	(v2sf) =	vpush v1, $0xE;
	_ =	sdelay $0x2  }
0x9f: {  	[tilespmem:v0+s23+$0x350 ss:$0x1] =	vst.idx.msk $0xffff, v2  }
0xa0: {  	v2 =	vld [tilespmem:s29+$0x20];
	_ =	sdelay $0x4  }
0xa1: {  	[tilespmem:v0+s23+$0x360 ss:$0x1] =	vst.idx.msk $0xffff, v2  }
0xa2: {  	v2 =	vld [tilespmem:s29+$0x30];
	_ =	sdelay $0x4  }
0xa3: {  	s30 =	spop (v2sf);
	[tilespmem:v0+s23+$0x370 ss:$0x1] =	vst.idx.msk $0xffff, v2  }
0xa4: {  	v2 =	vld [tilespmem:s30+$0x0];
	_ =	sdelay $0x4  }
0xa5: {  	[tilespmem:v0+s23+$0x380 ss:$0x1] =	vst.idx.msk $0xffff, v2  }
0xa6: {  	v2 =	vld [tilespmem:s30+$0x10];
	_ =	sdelay $0x1  }
0xa7: {  	(v2sf) =	vpush v1, $0xF;
	_ =	sdelay $0x2  }
0xa8: {  	[tilespmem:v0+s23+$0x390 ss:$0x1] =	vst.idx.msk $0xffff, v2  }
0xa9: {  	v1 =	vld [tilespmem:s30+$0x20];
	_ =	sdelay $0x4  }
0xaa: {  	[tilespmem:v0+s23+$0x3A0 ss:$0x1] =	vst.idx.msk $0xffff, v1  }
0xab: {  	v1 =	vld [tilespmem:s30+$0x30];
	_ =	sdelay $0x4  }
0xac: {  	s31 =	spop (v2sf);
	[tilespmem:v0+s23+$0x3B0 ss:$0x1] =	vst.idx.msk $0xffff, v1  }
0xad: {  	v1 =	vld [tilespmem:s31+$0x0];
	_ =	sdelay $0x4  }
0xae: {  	[tilespmem:v0+s23+$0x3C0 ss:$0x1] =	vst.idx.msk $0xffff, v1  }
0xaf: {  	v1 =	vld [tilespmem:s31+$0x10];
	_ =	sdelay $0x4  }
0xb0: {  	[tilespmem:v0+s23+$0x3D0 ss:$0x1] =	vst.idx.msk $0xffff, v1  }
0xb1: {  	v1 =	vld [tilespmem:s31+$0x20];
	_ =	sdelay $0x4  }
0xb2: {  	[tilespmem:v0+s23+$0x3E0 ss:$0x1] =	vst.idx.msk $0xffff, v1  }
0xb3: {  	p0 =	sne.s32 s22, $0x1F000;
	v1 =	vld [tilespmem:s31+$0x30]  }
.Ltmp0:
0xb4: {  	_ = 	snop;
	(pc) =	sbr.rel @p0 .LBB2_4-.Ltmp0, $2  }
0xb5: {  	_ =	sdelay $0x2  }
0xb6: {  	s21 =	sadd.s32 $0x10, s21;
	s22 =	sadd.s32 $0x1000, s22;
	[tilespmem:v0+s23+$0x3F0 ss:$0x1] =	vst.idx.msk $0xffff, v1  }
0xb7: {  	s15 =	sadd.s32 $0x1, s15  }
0xb8: {  	p0 =	sne.s32 s15, $0x19  }
.Ltmp1:
0xb9: {  	_ = 	snop;
	(pc) =	sbr.rel @p0 .LBB2_3-.Ltmp1, $4  }
0xba: {  	s20 =	sadd.s32 s14, s20  }
0xbb: {  	s18 =	sadd.s32 $0x1, s18;
	s20 =	sshll.u32 s20, $0x3  }
0xbc: {  	s16 =	sadd.s32 $0x200, s16;
	s17 =	sadd.s32 $0x8000, s17;
	s20 =	sadd.s32 s4, s20  }
0xbd: {  	[hbm4b:s20+s5] =	stream.linear.scatter [tilespmem:s19], [sflag:s18], $0x8000, $0x38;
	[tilespmem:$0x1E400] =	vst v63  }
0xbe: {  	_ =	swait.ge [sflag:s9], $0x8000  }
0xbf: {  	[sflag:s9] =	ssyncset.done $0x0  }
0xc0: {  	s13 =	sadd.s32 $0x1, s13;
	[sflag:s9] =	ssyncadd.s32 $0xFFFF8000  }
0xc1: {  	p0 =	sne.s32 s13, $0x8;
	_ =	swait.ge [sflag:s10], $0x8000  }
.Ltmp2:
0xc2: {  	[sflag:s10] =	ssyncset.done $0x0;
	(pc) =	sbr.rel @p0 .LBB2_2-.Ltmp2, $4  }
0xc3: {  	[sflag:s10] =	ssyncadd.s32 $0xFFFF8000  }
0xc4: {  	_ =	swait.ge [sflag:s11], $0x8000  }
0xc5: {  	[sflag:s11] =	ssyncset.done $0x0  }
0xc6: {  	[sflag:s11] =	ssyncadd.s32 $0xFFFF8000  }
0xc7: {  	s12 =	sadd.s32 $0x1, s12  }
0xc8: {  	p0 =	sne.s32 s12, s7  }
.Ltmp3:
0xc9: {  	_ = 	snop;
	(pc) =	sbr.rel @p0 .LBB2_1-.Ltmp3, $1  }
0xca: {  	_ =	sdelay $0x3  }
0xcb: {  	_ =	sfence.sel $0x180000  }
0xcc: {  	[bflag:$0x0] =	sbarrier.arrive $0xFFFF  }
0xcd: {  	p0 =	sne.s32 s2, $0x0;
	_ =	strace $0x90000047  }
0xce: {  	s0 =	sadd.s32 @!p0 $0x100000, s0;
	[bflag:$0x2] =	sbarrier.arrive $0xFFFF  }
0xcf: {  	[sflag:s0] =	ssyncadd.tile.s32 @!p0 $0x1;
	_ =	shalt  }
.Lfunc_end2:
_tile_overlayer_lowered:
.L_overlay_start_2:
0xd0: {  	(tag) =	ssettag $0x2  }
0xd1: {  	s0 =	rddreg [dreg:$0x0];
	s2 =	stileid.u32  }
0xd2: {  	s1 =	rddreg [dreg:$0x1];
	p0 =	sne.s32 s2, $0x0  }
0xd3: {  	s3 =	rddreg [dreg:$0x2];
	[bflag:$0x3] =	sbarrier.arrive $0xFFFF;
	s2 =	simm.s32 @!p0 $0x1C04  }
0xd4: {  	[timem:s3], [sflag:s2] =	dma.local @!p0 [hbm:s0], s1  }
0xd5: {  	s0 =	simm.s32 @!p0 $0x4  }
0xd6: {  	_ =	swait.ge @!p0 [sflag:s0], s1  }
0xd7: {  	s1 =	ssub.s32 @!p0 $0x0, s1;
	[sflag:s0] =	ssyncset.done @!p0 $0x0  }
0xd8: {  	[sflag:s0] =	ssyncadd.s32 @!p0 s1  }
0xd9: {  	[bflag:$0x3] =	sbarrier.arrive $0xFFFF  }
0xda: {  	_ =	shalt  }

</sc_bundles>
